<compile_context>
chip_gen: v7x
topology: tpu7x:2x2x1
jax: 0.10.2.dev20260603
libtpu: 0.0.44.dev20260713+nightly
codegen_flags: <defaults>
</compile_context>

<pallas_src>
import functools

import jax
import jax.numpy as jnp
from jax import lax
from jax.experimental import pallas as pl
from jax.experimental.pallas import tpu as pltpu
from jax.experimental.pallas import tpu_sc as plsc

NY, NX, C, N, BS = 496, 432, 64, 40000, 4
NYNX = NY * NX
BASE = BS * NYNX
NTILES = 32
SEG = BASE // NTILES
SEG_V = SEG // 16
N2 = 40064
NHALF = N // 2
UF = 6
ROWS = 64
ROWS_T = 48
SEGMAX = ROWS * NX
XV = NX // 16

_MESH = plsc.VectorSubcoreMesh(core_axis_name="c", subcore_axis_name="s")
_PARAMS = pltpu.CompilerParams(needs_layout_passes=False)


@functools.partial(
    pl.pallas_call,
    out_specs=pl.BlockSpec(memory_space=pl.ANY),
    out_shape=jax.ShapeDtypeStruct((C * N2,), jnp.float32),
    scratch_shapes=[
        pltpu.VMEM((C, N2), jnp.float32),
        pltpu.SemaphoreType.DMA,
    ],
)
def _to_cmajor_tc(vf_ref, flat_ref, vft_v, sem):
    vft_v[:, :N] = vf_ref[...].T
    for c in range(C):
        pltpu.make_async_copy(vft_v.at[c],
                              flat_ref.at[pl.ds(c * N2, N2)], sem).start()
    for c in range(C):
        pltpu.make_async_copy(vft_v.at[c],
                              flat_ref.at[pl.ds(c * N2, N2)], sem).wait()


@functools.partial(
    pl.kernel,
    out_type=jax.ShapeDtypeStruct((BS * C * NYNX,), jnp.float32),
    mesh=_MESH,
    compiler_params=_PARAMS,
    scratch_types=[
        pltpu.VMEM((SEG,), jnp.int32),
        pltpu.VMEM((N,), jnp.float32),
        pltpu.VMEM((SEG,), jnp.float32),
        pltpu.VMEM((NHALF,), jnp.int32),
        pltpu.SemaphoreType.DMA,
    ],
)
def _fill_canvas(vft_hbm, flat_hbm, out_hbm, inv_v, col_v, stage_v, flat_v,
                 osem):
    wid = lax.axis_index("s") * 2 + lax.axis_index("c")
    b = wid // 8
    seg_lo = (wid % 8) * SEG
    lo = wid * SEG

    empty = jnp.full((16,), -1, jnp.int32)

    def fill(i, _):
        inv_v[pl.ds(i * 16, 16)] = empty
        return 0

    lax.fori_loop(0, SEG_V, fill, 0)

    lane = lax.iota(jnp.int32, 16)

    for half in (0, 1):
        pltpu.sync_copy(flat_hbm.at[pl.ds(half * NHALF, NHALF)], flat_v)

        def scan(i, _):
            base16 = flat_v[pl.ds(i * 16, 16)]
            loc = base16 - lo
            mask = (loc >= 0) & (loc < SEG)
            loc = jnp.where(mask, loc, 0)
            ids = lane + (i * 16 + half * NHALF)
            plsc.store_scatter(inv_v, [loc], ids, mask=mask)
            return 0

        lax.fori_loop(0, NHALF // 16, scan, 0)

    def out_copy(c):
        return pltpu.make_async_copy(
            stage_v, out_hbm.at[pl.ds((b * C + c) * NYNX + seg_lo, SEG)],
            osem)

    def chan(c, _):
        pltpu.sync_copy(vft_hbm.at[pl.ds(c * N2, N)], col_v)

        @pl.when(c > 0)
        def _():
            out_copy(c - 1).wait()

        def gat(j, _):
            for u in range(UF):
                off = (j * UF + u) * 16
                iv = inv_v[pl.ds(off, 16)]
                idx = jnp.maximum(iv, 0)
                mult = jnp.where(iv >= 0, jnp.float32(1.0), jnp.float32(0.0))
                g = plsc.load_gather(col_v, [idx])
                stage_v[pl.ds(off, 16)] = g * mult
            return 0

        lax.fori_loop(0, SEG_V // UF, gat, 0)
        out_copy(c).start()
        return 0

    lax.fori_loop(0, C, chan, 0)
    out_copy(C - 1).wait()


def kernel(voxel_features, coors, batch_size):
    flat = (coors[:, 0] * NYNX + coors[:, 2] * NX + coors[:, 3]).astype(jnp.int32)
    vft = _to_cmajor_tc(voxel_features)
    out = _fill_canvas(vft, flat)
    del batch_size
    return out.reshape(BS, C, NY, NX)


_ = (ROWS, ROWS_T, SEGMAX, XV)

# --- scband reference (transcript-rebuilt; emitter-appended) ---
"""Pipeline reference for scband-point-pillars-scatter-60636348285364 (READ-ONLY COPY).

The authoritative reference and input builder live on the scoring server;
editing this copy changes nothing except your own understanding.
"""

import jax, jax.numpy as jnp
import numpy as np

NY, NX, C, N, BS = 496, 432, 64, 40000, 4

def setup_inputs(seed: int = 0) -> dict:
    key = jax.random.key(seed)
    k1, k2, k3 = jax.random.split(key, 3)
    vf = jax.random.normal(k1, (N, C), dtype=jnp.float32)
    # unique spatial cells so scatter-overwrite is deterministic (no duplicate writes)
    perm = jax.random.permutation(k2, NY * NX)[:N]
    b = jax.random.randint(k3, (N,), 0, BS)
    y = perm // NX
    x = perm % NX
    coors = jnp.stack([b, jnp.zeros_like(b), y, x], axis=1).astype(jnp.int32)
    return {"voxel_features": vf, "coors": coors, "batch_size": BS}

def reference(voxel_features, coors, batch_size):
    indices = coors[:, 2] * NX + coors[:, 3]
    canvases = []
    for bi in range(BS):
        mask = (coors[:, 0] == bi) & (coors[:, 0] < batch_size)
        # route non-selected voxels to an out-of-range index and drop them,
        # emulating torch boolean-mask select + canvas[:, indices] = voxels.t()
        safe_idx = jnp.where(mask, indices, NY * NX)
        canvas = jnp.zeros((C, NY * NX), dtype=voxel_features.dtype)
        canvas = canvas.at[:, safe_idx].set(voxel_features.T, mode="drop")
        canvases.append(canvas)
    out = jnp.stack(canvases, 0).reshape(BS, C, NY, NX)
    return out

if __name__ == "__main__":
    import jax
    _d = setup_inputs()
    print(jax.jit(kernel)(*tuple(_d.values())))

</pallas_src>

<mosaic_0001>
#map = affine_map<(d0, d1) -> (0)>
module attributes {stable_mosaic.version = 14 : i64} {
  func.func @_fill_canvas(%arg0: i32, %arg1: i32, %arg2: memref<2564096xf32, #tpu.memory_space<hbm>>, %arg3: memref<40000xi32, #tpu.memory_space<hbm>>, %arg4: memref<54853632xf32, #tpu.memory_space<hbm>>, %arg5: memref<26784xi32, #tpu.memory_space<vmem>>, %arg6: memref<40000xf32, #tpu.memory_space<vmem>>, %arg7: memref<26784xf32, #tpu.memory_space<vmem>>, %arg8: memref<20000xi32, #tpu.memory_space<vmem>>, %arg9: memref<!tpu.dma_semaphore, #tpu.memory_space<semaphore_mem>>) attributes {dimension_semantics = [#tpu.dimension_semantics<core_parallel>, #tpu.dimension_semantics<subcore_parallel>], iteration_bounds = array<i64: 2, 16>, scalar_prefetch = 0 : i64, scratch_operands = 5 : i64, tpu.core_type = #tpu.core_type<sc_vector_subcore>, window_params = [{transform_indices = #map}, {transform_indices = #map}, {transform_indices = #map}]} {
    %mul3A = arith.constant 2 : i32
    %mul3A_0 = arith.muli %arg1, %mul3A : i32
    %add3A = arith.addi %mul3A_0, %arg0 : i32
    %jit3A = arith.constant 8 : i32
    %div3A = arith.divsi %add3A, %jit3A : i32
    %sign3A = arith.constant 0 : i32
    %sign3A_1 = arith.cmpi sgt, %add3A, %sign3A : i32
    %sign3A_2 = arith.extui %sign3A_1 : i1 to i32
    %sign3A_3 = arith.constant 0 : i32
    %sign3A_4 = arith.cmpi slt, %add3A, %sign3A_3 : i32
    %sign3A_5 = arith.extui %sign3A_4 : i1 to i32
    %sign3A_6 = arith.subi %sign3A_2, %sign3A_5 : i32
    %sign3A_7 = arith.constant 0 : i32
    %sign3A_8 = arith.cmpi sgt, %jit3A, %sign3A_7 : i32
    %sign3A_9 = arith.extui %sign3A_8 : i1 to i32
    %sign3A_10 = arith.constant 0 : i32
    %sign3A_11 = arith.cmpi slt, %jit3A, %sign3A_10 : i32
    %sign3A_12 = arith.extui %sign3A_11 : i1 to i32
    %sign3A_13 = arith.subi %sign3A_9, %sign3A_12 : i32
    %ne3A = arith.cmpi ne, %sign3A_6, %sign3A_13 : i32
    %rem3A = arith.remsi %add3A, %jit3A : i32
    %ne3A_14 = arith.constant 0 : i32
    %ne3A_15 = arith.cmpi ne, %rem3A, %ne3A_14 : i32
    %and3A = arith.andi %ne3A, %ne3A_15 : i1
    %sub3A = arith.constant 1 : i32
    %sub3A_16 = arith.subi %div3A, %sub3A : i32
    %select_n3A = arith.select %and3A, %sub3A_16, %div3A : i32
    %jit3A_17 = arith.constant 8 : i32
    %eq3A = arith.constant 0 : i32
    %eq3A_18 = arith.cmpi eq, %jit3A_17, %eq3A : i32
    %jit3A_19 = arith.constant 1 : i32
    %select_n3A_20 = arith.select %eq3A_18, %jit3A_19, %jit3A_17 : i32
    %rem3A_21 = arith.remsi %add3A, %select_n3A_20 : i32
    %ne3A_22 = arith.constant 0 : i32
    %ne3A_23 = arith.cmpi ne, %rem3A_21, %ne3A_22 : i32
    %lt3A = arith.constant 0 : i32
    %lt3A_24 = arith.cmpi slt, %rem3A_21, %lt3A : i32
    %lt3A_25 = arith.constant 0 : i32
    %lt3A_26 = arith.cmpi slt, %select_n3A_20, %lt3A_25 : i32
    %ne3A_27 = arith.xori %lt3A_24, %lt3A_26 : i1
    %and3A_28 = arith.andi %ne3A_27, %ne3A_23 : i1
    %add3A_29 = arith.addi %rem3A_21, %select_n3A_20 : i32
    %select_n3A_30 = arith.select %and3A_28, %add3A_29, %rem3A_21 : i32
    %mul3A_31 = arith.constant 26784 : i32
    %mul3A_32 = arith.muli %select_n3A_30, %mul3A_31 : i32
    %mul3A_33 = arith.constant 26784 : i32
    %mul3A_34 = arith.muli %add3A, %mul3A_33 : i32
    %broadcast_in_dim3A = arith.constant -1 : i32
    %broadcast_in_dim3A_35 = vector.broadcast %broadcast_in_dim3A : i32 to vector<16xi32>
    %scan3A = arith.constant 0 : i32
    %scan3A_36 = arith.constant 0 : i32
    %scan3A_37 = arith.constant 1674 : i32
    %scan3A_38 = arith.addi %scan3A_36, %scan3A_37 : i32
    %scan3A_39 = arith.constant 1 : i32
    %scan3A_40 = scf.for %scan3A_71 = %scan3A_36 to %scan3A_38 step %scan3A_39 iter_args(%scan3A_72 = %scan3A) -> (i32)  : i32 {
      %mul3A_73 = arith.constant 16 : i32
      %mul3A_74 = arith.muli %scan3A_71, %mul3A_73 : i32
      %swap3A = arith.index_cast %mul3A_74 : i32 to index
      %swap3A_75 = tpu.vector_load %arg5[%swap3A] {strides = array<i32>} : memref<26784xi32, #tpu.memory_space<vmem>>, vector<16xi32>,
      tpu.vector_store %arg5[%swap3A], %broadcast_in_dim3A_35 {strides = array<i32>} : memref<26784xi32, #tpu.memory_space<vmem>>, vector<16xi32>,
      %scan3A_76 = arith.constant 0 : i32
      scf.yield %scan3A_76 : i32
    }
    %scan3A_41 = arith.constant 1674 : i32
    %iota3A = tpu.iota {dimensions = array<i32: 0>} : vector<16xi32>
    "tpu.region"() ({
      %run_scoped3A = tpu.sem_alloc : memref<!tpu.dma_semaphore, #tpu.memory_space<semaphore_mem>>
      %dma_start3A = arith.constant 0 : i32
      %dma_start3A_71 = tpu.memref_slice %arg3[%dma_start3A] : memref<40000xi32, #tpu.memory_space<hbm>> -> memref<20000xi32, #tpu.memory_space<hbm>>
      %dma_start3A_72 = arith.constant 0 : i32
      %dma_start3A_73 = tpu.memref_slice %arg3[%dma_start3A_72] : memref<40000xi32, #tpu.memory_space<hbm>> -> memref<20000xi32, #tpu.memory_space<hbm>>
      tpu.enqueue_dma source(%dma_start3A_73 : memref<20000xi32, #tpu.memory_space<hbm>>) target(%arg8 : memref<20000xi32, #tpu.memory_space<vmem>>) target_semaphore(%run_scoped3A : memref<!tpu.dma_semaphore, #tpu.memory_space<semaphore_mem>>)
      %dma_wait3A_74 = arith.constant 0 : i32
      %dma_wait3A_75 = tpu.memref_slice %arg3[%dma_wait3A_74] : memref<40000xi32, #tpu.memory_space<hbm>> -> memref<20000xi32, #tpu.memory_space<hbm>>
      %dma_wait3A_76 = arith.constant 0 : i32
      %dma_wait3A_77 = tpu.memref_slice %arg3[%dma_wait3A_76] : memref<40000xi32, #tpu.memory_space<hbm>> -> memref<20000xi32, #tpu.memory_space<hbm>>
      tpu.wait_dma2 semaphore(%run_scoped3A : memref<!tpu.dma_semaphore, #tpu.memory_space<semaphore_mem>>) src(%dma_wait3A_77 : memref<20000xi32, #tpu.memory_space<hbm>>) dst(%arg8 : memref<20000xi32, #tpu.memory_space<vmem>>)
      tpu.yield
    }) : () -> ()
    %scan3A_42 = arith.constant 0 : i32
    %scan3A_43 = arith.constant 0 : i32
    %scan3A_44 = arith.constant 1250 : i32
    %scan3A_45 = arith.addi %scan3A_43, %scan3A_44 : i32
    %scan3A_46 = arith.constant 1 : i32
    %scan3A_47 = scf.for %scan3A_71 = %scan3A_43 to %scan3A_45 step %scan3A_46 iter_args(%scan3A_72 = %scan3A_42) -> (i32)  : i32 {
      %mul3A_73 = arith.constant 16 : i32
      %mul3A_74 = arith.muli %scan3A_71, %mul3A_73 : i32
      %get3A = arith.index_cast %mul3A_74 : i32 to index
      %get3A_75 = tpu.vector_load %arg8[%get3A] {strides = array<i32>} : memref<20000xi32, #tpu.memory_space<vmem>>, vector<16xi32>,
      %sub3A_76 = vector.broadcast %mul3A_34 : i32 to vector<16xi32>
      %sub3A_77 = arith.subi %get3A_75, %sub3A_76 : vector<16xi32>
      %ge3A = arith.constant 0 : i32
      %ge3A_78 = vector.broadcast %ge3A : i32 to vector<16xi32>
      %ge3A_79 = arith.cmpi sge, %sub3A_77, %ge3A_78 : vector<16xi32>
      %lt3A_80 = arith.constant 26784 : i32
      %lt3A_81 = vector.broadcast %lt3A_80 : i32 to vector<16xi32>
      %lt3A_82 = arith.cmpi slt, %sub3A_77, %lt3A_81 : vector<16xi32>
      %and3A_83 = arith.andi %ge3A_79, %lt3A_82 : vector<16xi1>
      %jit3A_84 = arith.constant 0 : i32
      %broadcast_in_dim3A_85 = vector.broadcast %jit3A_84 : i32 to vector<16xi32>
      %select_n3A_86 = arith.select %and3A_83, %sub3A_77, %broadcast_in_dim3A_85 : vector<16xi1>, vector<16xi32>
      %mul3A_87 = arith.constant 16 : i32
      %mul3A_88 = arith.muli %scan3A_71, %mul3A_87 : i32
      %add3A_89 = arith.constant 0 : i32
      %add3A_90 = arith.addi %mul3A_88, %add3A_89 : i32
      %add3A_91 = vector.broadcast %add3A_90 : i32 to vector<16xi32>
      %add3A_92 = arith.addi %iota3A, %add3A_91 : vector<16xi32>
      tpu.vector_store_idx %arg5[%select_n3A_86], %add3A_92 masked %and3A_83 : memref<26784xi32, #tpu.memory_space<vmem>>[vector<16xi32>], vector<16xi32>, vector<16xi1>
      %scan3A_93 = arith.constant 0 : i32
      scf.yield %scan3A_93 : i32
    }
    %scan3A_48 = arith.constant 1250 : i32
    "tpu.region"() ({
      %run_scoped3A = tpu.sem_alloc : memref<!tpu.dma_semaphore, #tpu.memory_space<semaphore_mem>>
      %dma_start3A = arith.constant 20000 : i32
      %dma_start3A_71 = tpu.memref_slice %arg3[%dma_start3A] : memref<40000xi32, #tpu.memory_space<hbm>> -> memref<20000xi32, #tpu.memory_space<hbm>>
      %dma_start3A_72 = arith.constant 20000 : i32
      %dma_start3A_73 = tpu.memref_slice %arg3[%dma_start3A_72] : memref<40000xi32, #tpu.memory_space<hbm>> -> memref<20000xi32, #tpu.memory_space<hbm>>
      tpu.enqueue_dma source(%dma_start3A_73 : memref<20000xi32, #tpu.memory_space<hbm>>) target(%arg8 : memref<20000xi32, #tpu.memory_space<vmem>>) target_semaphore(%run_scoped3A : memref<!tpu.dma_semaphore, #tpu.memory_space<semaphore_mem>>)
      %dma_wait3A_74 = arith.constant 20000 : i32
      %dma_wait3A_75 = tpu.memref_slice %arg3[%dma_wait3A_74] : memref<40000xi32, #tpu.memory_space<hbm>> -> memref<20000xi32, #tpu.memory_space<hbm>>
      %dma_wait3A_76 = arith.constant 20000 : i32
      %dma_wait3A_77 = tpu.memref_slice %arg3[%dma_wait3A_76] : memref<40000xi32, #tpu.memory_space<hbm>> -> memref<20000xi32, #tpu.memory_space<hbm>>
      tpu.wait_dma2 semaphore(%run_scoped3A : memref<!tpu.dma_semaphore, #tpu.memory_space<semaphore_mem>>) src(%dma_wait3A_77 : memref<20000xi32, #tpu.memory_space<hbm>>) dst(%arg8 : memref<20000xi32, #tpu.memory_space<vmem>>)
      tpu.yield
    }) : () -> ()
    %scan3A_49 = arith.constant 0 : i32
    %scan3A_50 = arith.constant 0 : i32
    %scan3A_51 = arith.constant 1250 : i32
    %scan3A_52 = arith.addi %scan3A_50, %scan3A_51 : i32
    %scan3A_53 = arith.constant 1 : i32
    %scan3A_54 = scf.for %scan3A_71 = %scan3A_50 to %scan3A_52 step %scan3A_53 iter_args(%scan3A_72 = %scan3A_49) -> (i32)  : i32 {
      %mul3A_73 = arith.constant 16 : i32
      %mul3A_74 = arith.muli %scan3A_71, %mul3A_73 : i32
      %get3A = arith.index_cast %mul3A_74 : i32 to index
      %get3A_75 = tpu.vector_load %arg8[%get3A] {strides = array<i32>} : memref<20000xi32, #tpu.memory_space<vmem>>, vector<16xi32>,
      %sub3A_76 = vector.broadcast %mul3A_34 : i32 to vector<16xi32>
      %sub3A_77 = arith.subi %get3A_75, %sub3A_76 : vector<16xi32>
      %ge3A = arith.constant 0 : i32
      %ge3A_78 = vector.broadcast %ge3A : i32 to vector<16xi32>
      %ge3A_79 = arith.cmpi sge, %sub3A_77, %ge3A_78 : vector<16xi32>
      %lt3A_80 = arith.constant 26784 : i32
      %lt3A_81 = vector.broadcast %lt3A_80 : i32 to vector<16xi32>
      %lt3A_82 = arith.cmpi slt, %sub3A_77, %lt3A_81 : vector<16xi32>
      %and3A_83 = arith.andi %ge3A_79, %lt3A_82 : vector<16xi1>
      %jit3A_84 = arith.constant 0 : i32
      %broadcast_in_dim3A_85 = vector.broadcast %jit3A_84 : i32 to vector<16xi32>
      %select_n3A_86 = arith.select %and3A_83, %sub3A_77, %broadcast_in_dim3A_85 : vector<16xi1>, vector<16xi32>
      %mul3A_87 = arith.constant 16 : i32
      %mul3A_88 = arith.muli %scan3A_71, %mul3A_87 : i32
      %add3A_89 = arith.constant 20000 : i32
      %add3A_90 = arith.addi %mul3A_88, %add3A_89 : i32
      %add3A_91 = vector.broadcast %add3A_90 : i32 to vector<16xi32>
      %add3A_92 = arith.addi %iota3A, %add3A_91 : vector<16xi32>
      tpu.vector_store_idx %arg5[%select_n3A_86], %add3A_92 masked %and3A_83 : memref<26784xi32, #tpu.memory_space<vmem>>[vector<16xi32>], vector<16xi32>, vector<16xi1>
      %scan3A_93 = arith.constant 0 : i32
      scf.yield %scan3A_93 : i32
    }
    %scan3A_55 = arith.constant 1250 : i32
    %scan3A_56 = arith.constant 0 : i32
    %scan3A_57 = arith.constant 0 : i32
    %scan3A_58 = arith.constant 64 : i32
    %scan3A_59 = arith.addi %scan3A_57, %scan3A_58 : i32
    %scan3A_60 = arith.constant 1 : i32
    %scan3A_61 = scf.for %scan3A_71 = %scan3A_57 to %scan3A_59 step %scan3A_60 iter_args(%scan3A_72 = %scan3A_56) -> (i32)  : i32 {
      %mul3A_73 = arith.constant 40064 : i32
      %mul3A_74 = arith.muli %scan3A_71, %mul3A_73 : i32
      "tpu.region"() ({
        %run_scoped3A = tpu.sem_alloc : memref<!tpu.dma_semaphore, #tpu.memory_space<semaphore_mem>>
        %dma_start3A_92 = tpu.memref_slice %arg2[%mul3A_74] : memref<2564096xf32, #tpu.memory_space<hbm>> -> memref<40000xf32, #tpu.memory_space<hbm>>
        %dma_start3A_93 = tpu.memref_slice %arg2[%mul3A_74] : memref<2564096xf32, #tpu.memory_space<hbm>> -> memref<40000xf32, #tpu.memory_space<hbm>>
        tpu.enqueue_dma source(%dma_start3A_93 : memref<40000xf32, #tpu.memory_space<hbm>>) target(%arg6 : memref<40000xf32, #tpu.memory_space<vmem>>) target_semaphore(%run_scoped3A : memref<!tpu.dma_semaphore, #tpu.memory_space<semaphore_mem>>)
        %dma_wait3A_94 = tpu.memref_slice %arg2[%mul3A_74] : memref<2564096xf32, #tpu.memory_space<hbm>> -> memref<40000xf32, #tpu.memory_space<hbm>>
        %dma_wait3A_95 = tpu.memref_slice %arg2[%mul3A_74] : memref<2564096xf32, #tpu.memory_space<hbm>> -> memref<40000xf32, #tpu.memory_space<hbm>>
        tpu.wait_dma2 semaphore(%run_scoped3A : memref<!tpu.dma_semaphore, #tpu.memory_space<semaphore_mem>>) src(%dma_wait3A_95 : memref<40000xf32, #tpu.memory_space<hbm>>) dst(%arg6 : memref<40000xf32, #tpu.memory_space<vmem>>)
        tpu.yield
      }) : () -> ()
      %gt3A = arith.constant 0 : i32
      %gt3A_75 = arith.cmpi sgt, %scan3A_71, %gt3A : i32
      %convert_element_type3A = arith.extui %gt3A_75 : i1 to i32
      %cond3A = arith.constant 0 : i32
      %cond3A_76 = arith.cmpi ne, %convert_element_type3A, %cond3A : i32
      scf.if %cond3A_76 {
        %sub3A_92 = arith.constant 1 : i32
        %sub3A_93 = arith.subi %scan3A_71, %sub3A_92 : i32
        %mul3A_94 = arith.constant 64 : i32
        %mul3A_95 = arith.muli %select_n3A, %mul3A_94 : i32
        %add3A_96 = arith.addi %mul3A_95, %sub3A_93 : i32
        %mul3A_97 = arith.constant 214272 : i32
        %mul3A_98 = arith.muli %add3A_96, %mul3A_97 : i32
        %add3A_99 = arith.addi %mul3A_98, %mul3A_32 : i32
        %dma_wait3A_100 = tpu.memref_slice %arg4[%add3A_99] : memref<54853632xf32, #tpu.memory_space<hbm>> -> memref<26784xf32, #tpu.memory_space<hbm>>
        %dma_wait3A_101 = tpu.memref_slice %arg4[%add3A_99] : memref<54853632xf32, #tpu.memory_space<hbm>> -> memref<26784xf32, #tpu.memory_space<hbm>>
        tpu.wait_dma2 semaphore(%arg9 : memref<!tpu.dma_semaphore, #tpu.memory_space<semaphore_mem>>) src(%arg7 : memref<26784xf32, #tpu.memory_space<vmem>>) dst(%dma_wait3A_101 : memref<26784xf32, #tpu.memory_space<hbm>>)
      } else {
      }
      %scan3A_77 = arith.constant 0 : i32
      %scan3A_78 = arith.constant 0 : i32
      %scan3A_79 = arith.constant 279 : i32
      %scan3A_80 = arith.addi %scan3A_78, %scan3A_79 : i32
      %scan3A_81 = arith.constant 1 : i32
      %scan3A_82 = scf.for %scan3A_92 = %scan3A_78 to %scan3A_80 step %scan3A_81 iter_args(%scan3A_93 = %scan3A_77) -> (i32)  : i32 {
        %mul3A_94 = arith.constant 6 : i32
        %mul3A_95 = arith.muli %scan3A_92, %mul3A_94 : i32
        %add3A_96 = arith.constant 0 : i32
        %add3A_97 = arith.addi %mul3A_95, %add3A_96 : i32
        %mul3A_98 = arith.constant 16 : i32
        %mul3A_99 = arith.muli %add3A_97, %mul3A_98 : i32
        %get3A = arith.index_cast %mul3A_99 : i32 to index
        %get3A_100 = tpu.vector_load %arg5[%get3A] {strides = array<i32>} : memref<26784xi32, #tpu.memory_space<vmem>>, vector<16xi32>,
        %max3A = arith.constant 0 : i32
        %max3A_101 = vector.broadcast %max3A : i32 to vector<16xi32>
        %max3A_102 = arith.maxsi %get3A_100, %max3A_101 : vector<16xi32>
        %ge3A = arith.constant 0 : i32
        %ge3A_103 = vector.broadcast %ge3A : i32 to vector<16xi32>
        %ge3A_104 = arith.cmpi sge, %get3A_100, %ge3A_103 : vector<16xi32>
        %jit3A_105 = arith.constant 1.000000e+00 : f32
        %jit3A_106 = arith.constant 0.000000e+00 : f32
        %broadcast_in_dim3A_107 = vector.broadcast %jit3A_105 : f32 to vector<16xf32>
        %broadcast_in_dim3A_108 = vector.broadcast %jit3A_106 : f32 to vector<16xf32>
        %select_n3A_109 = arith.select %ge3A_104, %broadcast_in_dim3A_107, %broadcast_in_dim3A_108 : vector<16xi1>, vector<16xf32>
        %gather3A = tpu.vector_load_idx %arg6[%max3A_102] : memref<40000xf32, #tpu.memory_space<vmem>>[vector<16xi32>], vector<16xf32>,
        %mul3A_110 = arith.mulf %gather3A, %select_n3A_109 : vector<16xf32>
        %swap3A = arith.index_cast %mul3A_99 : i32 to index
        %swap3A_111 = tpu.vector_load %arg7[%swap3A] {strides = array<i32>} : memref<26784xf32, #tpu.memory_space<vmem>>, vector<16xf32>,
        tpu.vector_store %arg7[%swap3A], %mul3A_110 {strides = array<i32>} : memref<26784xf32, #tpu.memory_space<vmem>>, vector<16xf32>,
        %mul3A_112 = arith.constant 6 : i32
        %mul3A_113 = arith.muli %scan3A_92, %mul3A_112 : i32
        %add3A_114 = arith.constant 1 : i32
        %add3A_115 = arith.addi %mul3A_113, %add3A_114 : i32
        %mul3A_116 = arith.constant 16 : i32
        %mul3A_117 = arith.muli %add3A_115, %mul3A_116 : i32
        %get3A_118 = arith.index_cast %mul3A_117 : i32 to index
        %get3A_119 = tpu.vector_load %arg5[%get3A_118] {strides = array<i32>} : memref<26784xi32, #tpu.memory_space<vmem>>, vector<16xi32>,
        %max3A_120 = arith.constant 0 : i32
        %max3A_121 = vector.broadcast %max3A_120 : i32 to vector<16xi32>
        %max3A_122 = arith.maxsi %get3A_119, %max3A_121 : vector<16xi32>
        %ge3A_123 = arith.constant 0 : i32
        %ge3A_124 = vector.broadcast %ge3A_123 : i32 to vector<16xi32>
        %ge3A_125 = arith.cmpi sge, %get3A_119, %ge3A_124 : vector<16xi32>
        %jit3A_126 = arith.constant 1.000000e+00 : f32
        %jit3A_127 = arith.constant 0.000000e+00 : f32
        %broadcast_in_dim3A_128 = vector.broadcast %jit3A_126 : f32 to vector<16xf32>
        %broadcast_in_dim3A_129 = vector.broadcast %jit3A_127 : f32 to vector<16xf32>
        %select_n3A_130 = arith.select %ge3A_125, %broadcast_in_dim3A_128, %broadcast_in_dim3A_129 : vector<16xi1>, vector<16xf32>
        %gather3A_131 = tpu.vector_load_idx %arg6[%max3A_122] : memref<40000xf32, #tpu.memory_space<vmem>>[vector<16xi32>], vector<16xf32>,
        %mul3A_132 = arith.mulf %gather3A_131, %select_n3A_130 : vector<16xf32>
        %swap3A_133 = arith.index_cast %mul3A_117 : i32 to index
        %swap3A_134 = tpu.vector_load %arg7[%swap3A_133] {strides = array<i32>} : memref<26784xf32, #tpu.memory_space<vmem>>, vector<16xf32>,
        tpu.vector_store %arg7[%swap3A_133], %mul3A_132 {strides = array<i32>} : memref<26784xf32, #tpu.memory_space<vmem>>, vector<16xf32>,
        %mul3A_135 = arith.constant 6 : i32
        %mul3A_136 = arith.muli %scan3A_92, %mul3A_135 : i32
        %add3A_137 = arith.constant 2 : i32
        %add3A_138 = arith.addi %mul3A_136, %add3A_137 : i32
        %mul3A_139 = arith.constant 16 : i32
        %mul3A_140 = arith.muli %add3A_138, %mul3A_139 : i32
        %get3A_141 = arith.index_cast %mul3A_140 : i32 to index
        %get3A_142 = tpu.vector_load %arg5[%get3A_141] {strides = array<i32>} : memref<26784xi32, #tpu.memory_space<vmem>>, vector<16xi32>,
        %max3A_143 = arith.constant 0 : i32
        %max3A_144 = vector.broadcast %max3A_143 : i32 to vector<16xi32>
        %max3A_145 = arith.maxsi %get3A_142, %max3A_144 : vector<16xi32>
        %ge3A_146 = arith.constant 0 : i32
        %ge3A_147 = vector.broadcast %ge3A_146 : i32 to vector<16xi32>
        %ge3A_148 = arith.cmpi sge, %get3A_142, %ge3A_147 : vector<16xi32>
        %jit3A_149 = arith.constant 1.000000e+00 : f32
        %jit3A_150 = arith.constant 0.000000e+00 : f32
        %broadcast_in_dim3A_151 = vector.broadcast %jit3A_149 : f32 to vector<16xf32>
        %broadcast_in_dim3A_152 = vector.broadcast %jit3A_150 : f32 to vector<16xf32>
        %select_n3A_153 = arith.select %ge3A_148, %broadcast_in_dim3A_151, %broadcast_in_dim3A_152 : vector<16xi1>, vector<16xf32>
        %gather3A_154 = tpu.vector_load_idx %arg6[%max3A_145] : memref<40000xf32, #tpu.memory_space<vmem>>[vector<16xi32>], vector<16xf32>,
        %mul3A_155 = arith.mulf %gather3A_154, %select_n3A_153 : vector<16xf32>
        %swap3A_156 = arith.index_cast %mul3A_140 : i32 to index
        %swap3A_157 = tpu.vector_load %arg7[%swap3A_156] {strides = array<i32>} : memref<26784xf32, #tpu.memory_space<vmem>>, vector<16xf32>,
        tpu.vector_store %arg7[%swap3A_156], %mul3A_155 {strides = array<i32>} : memref<26784xf32, #tpu.memory_space<vmem>>, vector<16xf32>,
        %mul3A_158 = arith.constant 6 : i32
        %mul3A_159 = arith.muli %scan3A_92, %mul3A_158 : i32
        %add3A_160 = arith.constant 3 : i32
        %add3A_161 = arith.addi %mul3A_159, %add3A_160 : i32
        %mul3A_162 = arith.constant 16 : i32
        %mul3A_163 = arith.muli %add3A_161, %mul3A_162 : i32
        %get3A_164 = arith.index_cast %mul3A_163 : i32 to index
        %get3A_165 = tpu.vector_load %arg5[%get3A_164] {strides = array<i32>} : memref<26784xi32, #tpu.memory_space<vmem>>, vector<16xi32>,
        %max3A_166 = arith.constant 0 : i32
        %max3A_167 = vector.broadcast %max3A_166 : i32 to vector<16xi32>
        %max3A_168 = arith.maxsi %get3A_165, %max3A_167 : vector<16xi32>
        %ge3A_169 = arith.constant 0 : i32
        %ge3A_170 = vector.broadcast %ge3A_169 : i32 to vector<16xi32>
        %ge3A_171 = arith.cmpi sge, %get3A_165, %ge3A_170 : vector<16xi32>
        %jit3A_172 = arith.constant 1.000000e+00 : f32
        %jit3A_173 = arith.constant 0.000000e+00 : f32
        %broadcast_in_dim3A_174 = vector.broadcast %jit3A_172 : f32 to vector<16xf32>
        %broadcast_in_dim3A_175 = vector.broadcast %jit3A_173 : f32 to vector<16xf32>
        %select_n3A_176 = arith.select %ge3A_171, %broadcast_in_dim3A_174, %broadcast_in_dim3A_175 : vector<16xi1>, vector<16xf32>
        %gather3A_177 = tpu.vector_load_idx %arg6[%max3A_168] : memref<40000xf32, #tpu.memory_space<vmem>>[vector<16xi32>], vector<16xf32>,
        %mul3A_178 = arith.mulf %gather3A_177, %select_n3A_176 : vector<16xf32>
        %swap3A_179 = arith.index_cast %mul3A_163 : i32 to index
        %swap3A_180 = tpu.vector_load %arg7[%swap3A_179] {strides = array<i32>} : memref<26784xf32, #tpu.memory_space<vmem>>, vector<16xf32>,
        tpu.vector_store %arg7[%swap3A_179], %mul3A_178 {strides = array<i32>} : memref<26784xf32, #tpu.memory_space<vmem>>, vector<16xf32>,
        %mul3A_181 = arith.constant 6 : i32
        %mul3A_182 = arith.muli %scan3A_92, %mul3A_181 : i32
        %add3A_183 = arith.constant 4 : i32
        %add3A_184 = arith.addi %mul3A_182, %add3A_183 : i32
        %mul3A_185 = arith.constant 16 : i32
        %mul3A_186 = arith.muli %add3A_184, %mul3A_185 : i32
        %get3A_187 = arith.index_cast %mul3A_186 : i32 to index
        %get3A_188 = tpu.vector_load %arg5[%get3A_187] {strides = array<i32>} : memref<26784xi32, #tpu.memory_space<vmem>>, vector<16xi32>,
        %max3A_189 = arith.constant 0 : i32
        %max3A_190 = vector.broadcast %max3A_189 : i32 to vector<16xi32>
        %max3A_191 = arith.maxsi %get3A_188, %max3A_190 : vector<16xi32>
        %ge3A_192 = arith.constant 0 : i32
        %ge3A_193 = vector.broadcast %ge3A_192 : i32 to vector<16xi32>
        %ge3A_194 = arith.cmpi sge, %get3A_188, %ge3A_193 : vector<16xi32>
        %jit3A_195 = arith.constant 1.000000e+00 : f32
        %jit3A_196 = arith.constant 0.000000e+00 : f32
        %broadcast_in_dim3A_197 = vector.broadcast %jit3A_195 : f32 to vector<16xf32>
        %broadcast_in_dim3A_198 = vector.broadcast %jit3A_196 : f32 to vector<16xf32>
        %select_n3A_199 = arith.select %ge3A_194, %broadcast_in_dim3A_197, %broadcast_in_dim3A_198 : vector<16xi1>, vector<16xf32>
        %gather3A_200 = tpu.vector_load_idx %arg6[%max3A_191] : memref<40000xf32, #tpu.memory_space<vmem>>[vector<16xi32>], vector<16xf32>,
        %mul3A_201 = arith.mulf %gather3A_200, %select_n3A_199 : vector<16xf32>
        %swap3A_202 = arith.index_cast %mul3A_186 : i32 to index
        %swap3A_203 = tpu.vector_load %arg7[%swap3A_202] {strides = array<i32>} : memref<26784xf32, #tpu.memory_space<vmem>>, vector<16xf32>,
        tpu.vector_store %arg7[%swap3A_202], %mul3A_201 {strides = array<i32>} : memref<26784xf32, #tpu.memory_space<vmem>>, vector<16xf32>,
        %mul3A_204 = arith.constant 6 : i32
        %mul3A_205 = arith.muli %scan3A_92, %mul3A_204 : i32
        %add3A_206 = arith.constant 5 : i32
        %add3A_207 = arith.addi %mul3A_205, %add3A_206 : i32
        %mul3A_208 = arith.constant 16 : i32
        %mul3A_209 = arith.muli %add3A_207, %mul3A_208 : i32
        %get3A_210 = arith.index_cast %mul3A_209 : i32 to index
        %get3A_211 = tpu.vector_load %arg5[%get3A_210] {strides = array<i32>} : memref<26784xi32, #tpu.memory_space<vmem>>, vector<16xi32>,
        %max3A_212 = arith.constant 0 : i32
        %max3A_213 = vector.broadcast %max3A_212 : i32 to vector<16xi32>
        %max3A_214 = arith.maxsi %get3A_211, %max3A_213 : vector<16xi32>
        %ge3A_215 = arith.constant 0 : i32
        %ge3A_216 = vector.broadcast %ge3A_215 : i32 to vector<16xi32>
        %ge3A_217 = arith.cmpi sge, %get3A_211, %ge3A_216 : vector<16xi32>
        %jit3A_218 = arith.constant 1.000000e+00 : f32
        %jit3A_219 = arith.constant 0.000000e+00 : f32
        %broadcast_in_dim3A_220 = vector.broadcast %jit3A_218 : f32 to vector<16xf32>
        %broadcast_in_dim3A_221 = vector.broadcast %jit3A_219 : f32 to vector<16xf32>
        %select_n3A_222 = arith.select %ge3A_217, %broadcast_in_dim3A_220, %broadcast_in_dim3A_221 : vector<16xi1>, vector<16xf32>
        %gather3A_223 = tpu.vector_load_idx %arg6[%max3A_214] : memref<40000xf32, #tpu.memory_space<vmem>>[vector<16xi32>], vector<16xf32>,
        %mul3A_224 = arith.mulf %gather3A_223, %select_n3A_222 : vector<16xf32>
        %swap3A_225 = arith.index_cast %mul3A_209 : i32 to index
        %swap3A_226 = tpu.vector_load %arg7[%swap3A_225] {strides = array<i32>} : memref<26784xf32, #tpu.memory_space<vmem>>, vector<16xf32>,
        tpu.vector_store %arg7[%swap3A_225], %mul3A_224 {strides = array<i32>} : memref<26784xf32, #tpu.memory_space<vmem>>, vector<16xf32>,
        %scan3A_227 = arith.constant 0 : i32
        scf.yield %scan3A_227 : i32
      }
      %scan3A_83 = arith.constant 279 : i32
      %mul3A_84 = arith.constant 64 : i32
      %mul3A_85 = arith.muli %select_n3A, %mul3A_84 : i32
      %add3A_86 = arith.addi %mul3A_85, %scan3A_71 : i32
      %mul3A_87 = arith.constant 214272 : i32
      %mul3A_88 = arith.muli %add3A_86, %mul3A_87 : i32
      %add3A_89 = arith.addi %mul3A_88, %mul3A_32 : i32
      %dma_start3A = tpu.memref_slice %arg4[%add3A_89] : memref<54853632xf32, #tpu.memory_space<hbm>> -> memref<26784xf32, #tpu.memory_space<hbm>>
      %dma_start3A_90 = tpu.memref_slice %arg4[%add3A_89] : memref<54853632xf32, #tpu.memory_space<hbm>> -> memref<26784xf32, #tpu.memory_space<hbm>>
      tpu.enqueue_dma source(%arg7 : memref<26784xf32, #tpu.memory_space<vmem>>) target(%dma_start3A_90 : memref<26784xf32, #tpu.memory_space<hbm>>) target_semaphore(%arg9 : memref<!tpu.dma_semaphore, #tpu.memory_space<semaphore_mem>>)
      %scan3A_91 = arith.constant 0 : i32
      scf.yield %scan3A_91 : i32
    }
    %scan3A_62 = arith.constant 64 : i32
    %mul3A_63 = arith.constant 64 : i32
    %mul3A_64 = arith.muli %select_n3A, %mul3A_63 : i32
    %add3A_65 = arith.constant 63 : i32
    %add3A_66 = arith.addi %mul3A_64, %add3A_65 : i32
    %mul3A_67 = arith.constant 214272 : i32
    %mul3A_68 = arith.muli %add3A_66, %mul3A_67 : i32
    %add3A_69 = arith.addi %mul3A_68, %mul3A_32 : i32
    %dma_wait3A = tpu.memref_slice %arg4[%add3A_69] : memref<54853632xf32, #tpu.memory_space<hbm>> -> memref<26784xf32, #tpu.memory_space<hbm>>
    %dma_wait3A_70 = tpu.memref_slice %arg4[%add3A_69] : memref<54853632xf32, #tpu.memory_space<hbm>> -> memref<26784xf32, #tpu.memory_space<hbm>>
    tpu.wait_dma2 semaphore(%arg9 : memref<!tpu.dma_semaphore, #tpu.memory_space<semaphore_mem>>) src(%arg7 : memref<26784xf32, #tpu.memory_space<vmem>>) dst(%dma_wait3A_70 : memref<26784xf32, #tpu.memory_space<hbm>>)
    return
  }
}

module attributes {stable_mosaic.version = 14 : i64} {
  func.func @_to_cmajor_tc(%arg0: memref<40000x64xf32, #tpu.memory_space<vmem>>, %arg1: memref<2564096xf32, #tpu.memory_space<any>>, %arg2: memref<64x40064xf32, #tpu.memory_space<vmem>>, %arg3: memref<!tpu.dma_semaphore, #tpu.memory_space<semaphore_mem>>) attributes {dimension_semantics = [], scalar_prefetch = 0 : i64, scratch_operands = 2 : i64, tpu.core_type = #tpu.core_type<tc>} {
    %get3A = arith.constant 0 : index
    %get3A_0 = arith.constant 0 : index
    %get3A_1 = vector.load %arg0[%get3A, %get3A_0] : memref<40000x64xf32, #tpu.memory_space<vmem>>, vector<40000x64xf32>
    %transpose3A = tpu.transpose %get3A_1, [1, 0] : vector<40000x64xf32> -> vector<64x40000xf32>
    %swap3A = arith.constant 0 : index
    %swap3A_2 = arith.constant 0 : index
    %swap3A_3 = vector.load %arg2[%swap3A, %swap3A_2] : memref<64x40064xf32, #tpu.memory_space<vmem>>, vector<64x40000xf32>
    tpu.vector_store %arg2[%swap3A, %swap3A_2], %transpose3A {strides = array<i32>} : memref<64x40064xf32, #tpu.memory_space<vmem>>, vector<64x40000xf32>,
    %dma_start3A = arith.constant 0 : i32
    %dma_start3A_4 = arith.constant 0 : i32
    %dma_start3A_5 = tpu.memref_slice %arg1[%dma_start3A_4] : memref<2564096xf32, #tpu.memory_space<any>> -> memref<40064xf32, #tpu.memory_space<any>>
    %dma_start3A_6 = arith.constant 0 : i32
    %dma_start3A_7 = tpu.memref_slice %arg2[%dma_start3A, %dma_start3A_6] : memref<64x40064xf32, #tpu.memory_space<vmem>> -> memref<1x40064xf32, #tpu.memory_space<vmem>>
    %dma_start3A_8 = tpu.memref_squeeze %dma_start3A_7 : memref<1x40064xf32, #tpu.memory_space<vmem>> -> memref<40064xf32, #tpu.memory_space<vmem>>
    tpu.enqueue_dma source(%dma_start3A_8 : memref<40064xf32, #tpu.memory_space<vmem>>) target(%dma_start3A_5 : memref<40064xf32, #tpu.memory_space<any>>) target_semaphore(%arg3 : memref<!tpu.dma_semaphore, #tpu.memory_space<semaphore_mem>>)
    %dma_start3A_9 = arith.constant 1 : i32
    %dma_start3A_10 = arith.constant 40064 : i32
    %dma_start3A_11 = tpu.memref_slice %arg1[%dma_start3A_10] : memref<2564096xf32, #tpu.memory_space<any>> -> memref<40064xf32, #tpu.memory_space<any>>
    %dma_start3A_12 = arith.constant 0 : i32
    %dma_start3A_13 = tpu.memref_slice %arg2[%dma_start3A_9, %dma_start3A_12] : memref<64x40064xf32, #tpu.memory_space<vmem>> -> memref<1x40064xf32, #tpu.memory_space<vmem>>
    %dma_start3A_14 = tpu.memref_squeeze %dma_start3A_13 : memref<1x40064xf32, #tpu.memory_space<vmem>> -> memref<40064xf32, #tpu.memory_space<vmem>>
    tpu.enqueue_dma source(%dma_start3A_14 : memref<40064xf32, #tpu.memory_space<vmem>>) target(%dma_start3A_11 : memref<40064xf32, #tpu.memory_space<any>>) target_semaphore(%arg3 : memref<!tpu.dma_semaphore, #tpu.memory_space<semaphore_mem>>)
    %dma_start3A_15 = arith.constant 2 : i32
    %dma_start3A_16 = arith.constant 80128 : i32
    %dma_start3A_17 = tpu.memref_slice %arg1[%dma_start3A_16] : memref<2564096xf32, #tpu.memory_space<any>> -> memref<40064xf32, #tpu.memory_space<any>>
    %dma_start3A_18 = arith.constant 0 : i32
    %dma_start3A_19 = tpu.memref_slice %arg2[%dma_start3A_15, %dma_start3A_18] : memref<64x40064xf32, #tpu.memory_space<vmem>> -> memref<1x40064xf32, #tpu.memory_space<vmem>>
    %dma_start3A_20 = tpu.memref_squeeze %dma_start3A_19 : memref<1x40064xf32, #tpu.memory_space<vmem>> -> memref<40064xf32, #tpu.memory_space<vmem>>
    tpu.enqueue_dma source(%dma_start3A_20 : memref<40064xf32, #tpu.memory_space<vmem>>) target(%dma_start3A_17 : memref<40064xf32, #tpu.memory_space<any>>) target_semaphore(%arg3 : memref<!tpu.dma_semaphore, #tpu.memory_space<semaphore_mem>>)
    %dma_start3A_21 = arith.constant 3 : i32
    %dma_start3A_22 = arith.constant 120192 : i32
    %dma_start3A_23 = tpu.memref_slice %arg1[%dma_start3A_22] : memref<2564096xf32, #tpu.memory_space<any>> -> memref<40064xf32, #tpu.memory_space<any>>
    %dma_start3A_24 = arith.constant 0 : i32
    %dma_start3A_25 = tpu.memref_slice %arg2[%dma_start3A_21, %dma_start3A_24] : memref<64x40064xf32, #tpu.memory_space<vmem>> -> memref<1x40064xf32, #tpu.memory_space<vmem>>
    %dma_start3A_26 = tpu.memref_squeeze %dma_start3A_25 : memref<1x40064xf32, #tpu.memory_space<vmem>> -> memref<40064xf32, #tpu.memory_space<vmem>>
    tpu.enqueue_dma source(%dma_start3A_26 : memref<40064xf32, #tpu.memory_space<vmem>>) target(%dma_start3A_23 : memref<40064xf32, #tpu.memory_space<any>>) target_semaphore(%arg3 : memref<!tpu.dma_semaphore, #tpu.memory_space<semaphore_mem>>)
    %dma_start3A_27 = arith.constant 4 : i32
    %dma_start3A_28 = arith.constant 160256 : i32
    %dma_start3A_29 = tpu.memref_slice %arg1[%dma_start3A_28] : memref<2564096xf32, #tpu.memory_space<any>> -> memref<40064xf32, #tpu.memory_space<any>>
    %dma_start3A_30 = arith.constant 0 : i32
    %dma_start3A_31 = tpu.memref_slice %arg2[%dma_start3A_27, %dma_start3A_30] : memref<64x40064xf32, #tpu.memory_space<vmem>> -> memref<1x40064xf32, #tpu.memory_space<vmem>>
    %dma_start3A_32 = tpu.memref_squeeze %dma_start3A_31 : memref<1x40064xf32, #tpu.memory_space<vmem>> -> memref<40064xf32, #tpu.memory_space<vmem>>
    tpu.enqueue_dma source(%dma_start3A_32 : memref<40064xf32, #tpu.memory_space<vmem>>) target(%dma_start3A_29 : memref<40064xf32, #tpu.memory_space<any>>) target_semaphore(%arg3 : memref<!tpu.dma_semaphore, #tpu.memory_space<semaphore_mem>>)
    %dma_start3A_33 = arith.constant 5 : i32
    %dma_start3A_34 = arith.constant 200320 : i32
    %dma_start3A_35 = tpu.memref_slice %arg1[%dma_start3A_34] : memref<2564096xf32, #tpu.memory_space<any>> -> memref<40064xf32, #tpu.memory_space<any>>
    %dma_start3A_36 = arith.constant 0 : i32
    %dma_start3A_37 = tpu.memref_slice %arg2[%dma_start3A_33, %dma_start3A_36] : memref<64x40064xf32, #tpu.memory_space<vmem>> -> memref<1x40064xf32, #tpu.memory_space<vmem>>
    %dma_start3A_38 = tpu.memref_squeeze %dma_start3A_37 : memref<1x40064xf32, #tpu.memory_space<vmem>> -> memref<40064xf32, #tpu.memory_space<vmem>>
    tpu.enqueue_dma source(%dma_start3A_38 : memref<40064xf32, #tpu.memory_space<vmem>>) target(%dma_start3A_35 : memref<40064xf32, #tpu.memory_space<any>>) target_semaphore(%arg3 : memref<!tpu.dma_semaphore, #tpu.memory_space<semaphore_mem>>)
    %dma_start3A_39 = arith.constant 6 : i32
    %dma_start3A_40 = arith.constant 240384 : i32
    %dma_start3A_41 = tpu.memref_slice %arg1[%dma_start3A_40] : memref<2564096xf32, #tpu.memory_space<any>> -> memref<40064xf32, #tpu.memory_space<any>>
    %dma_start3A_42 = arith.constant 0 : i32
    %dma_start3A_43 = tpu.memref_slice %arg2[%dma_start3A_39, %dma_start3A_42] : memref<64x40064xf32, #tpu.memory_space<vmem>> -> memref<1x40064xf32, #tpu.memory_space<vmem>>
    %dma_start3A_44 = tpu.memref_squeeze %dma_start3A_43 : memref<1x40064xf32, #tpu.memory_space<vmem>> -> memref<40064xf32, #tpu.memory_space<vmem>>
    tpu.enqueue_dma source(%dma_start3A_44 : memref<40064xf32, #tpu.memory_space<vmem>>) target(%dma_start3A_41 : memref<40064xf32, #tpu.memory_space<any>>) target_semaphore(%arg3 : memref<!tpu.dma_semaphore, #tpu.memory_space<semaphore_mem>>)
    %dma_start3A_45 = arith.constant 7 : i32
    %dma_start3A_46 = arith.constant 280448 : i32
    %dma_start3A_47 = tpu.memref_slice %arg1[%dma_start3A_46] : memref<2564096xf32, #tpu.memory_space<any>> -> memref<40064xf32, #tpu.memory_space<any>>
    %dma_start3A_48 = arith.constant 0 : i32
    %dma_start3A_49 = tpu.memref_slice %arg2[%dma_start3A_45, %dma_start3A_48] : memref<64x40064xf32, #tpu.memory_space<vmem>> -> memref<1x40064xf32, #tpu.memory_space<vmem>>
    %dma_start3A_50 = tpu.memref_squeeze %dma_start3A_49 : memref<1x40064xf32, #tpu.memory_space<vmem>> -> memref<40064xf32, #tpu.memory_space<vmem>>
    tpu.enqueue_dma source(%dma_start3A_50 : memref<40064xf32, #tpu.memory_space<vmem>>) target(%dma_start3A_47 : memref<40064xf32, #tpu.memory_space<any>>) target_semaphore(%arg3 : memref<!tpu.dma_semaphore, #tpu.memory_space<semaphore_mem>>)
    %dma_start3A_51 = arith.constant 8 : i32
    %dma_start3A_52 = arith.constant 320512 : i32
    %dma_start3A_53 = tpu.memref_slice %arg1[%dma_start3A_52] : memref<2564096xf32, #tpu.memory_space<any>> -> memref<40064xf32, #tpu.memory_space<any>>
    %dma_start3A_54 = arith.constant 0 : i32
    %dma_start3A_55 = tpu.memref_slice %arg2[%dma_start3A_51, %dma_start3A_54] : memref<64x40064xf32, #tpu.memory_space<vmem>> -> memref<1x40064xf32, #tpu.memory_space<vmem>>
    %dma_start3A_56 = tpu.memref_squeeze %dma_start3A_55 : memref<1x40064xf32, #tpu.memory_space<vmem>> -> memref<40064xf32, #tpu.memory_space<vmem>>
    tpu.enqueue_dma source(%dma_start3A_56 : memref<40064xf32, #tpu.memory_space<vmem>>) target(%dma_start3A_53 : memref<40064xf32, #tpu.memory_space<any>>) target_semaphore(%arg3 : memref<!tpu.dma_semaphore, #tpu.memory_space<semaphore_mem>>)
    %dma_start3A_57 = arith.constant 9 : i32
    %dma_start3A_58 = arith.constant 360576 : i32
    %dma_start3A_59 = tpu.memref_slice %arg1[%dma_start3A_58] : memref<2564096xf32, #tpu.memory_space<any>> -> memref<40064xf32, #tpu.memory_space<any>>
    %dma_start3A_60 = arith.constant 0 : i32
    %dma_start3A_61 = tpu.memref_slice %arg2[%dma_start3A_57, %dma_start3A_60] : memref<64x40064xf32, #tpu.memory_space<vmem>> -> memref<1x40064xf32, #tpu.memory_space<vmem>>
    %dma_start3A_62 = tpu.memref_squeeze %dma_start3A_61 : memref<1x40064xf32, #tpu.memory_space<vmem>> -> memref<40064xf32, #tpu.memory_space<vmem>>
    tpu.enqueue_dma source(%dma_start3A_62 : memref<40064xf32, #tpu.memory_space<vmem>>) target(%dma_start3A_59 : memref<40064xf32, #tpu.memory_space<any>>) target_semaphore(%arg3 : memref<!tpu.dma_semaphore, #tpu.memory_space<semaphore_mem>>)
    %dma_start3A_63 = arith.constant 10 : i32
    %dma_start3A_64 = arith.constant 400640 : i32
    %dma_start3A_65 = tpu.memref_slice %arg1[%dma_start3A_64] : memref<2564096xf32, #tpu.memory_space<any>> -> memref<40064xf32, #tpu.memory_space<any>>
    %dma_start3A_66 = arith.constant 0 : i32
    %dma_start3A_67 = tpu.memref_slice %arg2[%dma_start3A_63, %dma_start3A_66] : memref<64x40064xf32, #tpu.memory_space<vmem>> -> memref<1x40064xf32, #tpu.memory_space<vmem>>
    %dma_start3A_68 = tpu.memref_squeeze %dma_start3A_67 : memref<1x40064xf32, #tpu.memory_space<vmem>> -> memref<40064xf32, #tpu.memory_space<vmem>>
    tpu.enqueue_dma source(%dma_start3A_68 : memref<40064xf32, #tpu.memory_space<vmem>>) target(%dma_start3A_65 : memref<40064xf32, #tpu.memory_space<any>>) target_semaphore(%arg3 : memref<!tpu.dma_semaphore, #tpu.memory_space<semaphore_mem>>)
    %dma_start3A_69 = arith.constant 11 : i32
    %dma_start3A_70 = arith.constant 440704 : i32
    %dma_start3A_71 = tpu.memref_slice %arg1[%dma_start3A_70] : memref<2564096xf32, #tpu.memory_space<any>> -> memref<40064xf32, #tpu.memory_space<any>>
    %dma_start3A_72 = arith.constant 0 : i32
    %dma_start3A_73 = tpu.memref_slice %arg2[%dma_start3A_69, %dma_start3A_72] : memref<64x40064xf32, #tpu.memory_space<vmem>> -> memref<1x40064xf32, #tpu.memory_space<vmem>>
    %dma_start3A_74 = tpu.memref_squeeze %dma_start3A_73 : memref<1x40064xf32, #tpu.memory_space<vmem>> -> memref<40064xf32, #tpu.memory_space<vmem>>
    tpu.enqueue_dma source(%dma_start3A_74 : memref<40064xf32, #tpu.memory_space<vmem>>) target(%dma_start3A_71 : memref<40064xf32, #tpu.memory_space<any>>) target_semaphore(%arg3 : memref<!tpu.dma_semaphore, #tpu.memory_space<semaphore_mem>>)
    %dma_start3A_75 = arith.constant 12 : i32
    %dma_start3A_76 = arith.constant 480768 : i32
    %dma_start3A_77 = tpu.memref_slice %arg1[%dma_start3A_76] : memref<2564096xf32, #tpu.memory_space<any>> -> memref<40064xf32, #tpu.memory_space<any>>
    %dma_start3A_78 = arith.constant 0 : i32
    %dma_start3A_79 = tpu.memref_slice %arg2[%dma_start3A_75, %dma_start3A_78] : memref<64x40064xf32, #tpu.memory_space<vmem>> -> memref<1x40064xf32, #tpu.memory_space<vmem>>
    %dma_start3A_80 = tpu.memref_squeeze %dma_start3A_79 : memref<1x40064xf32, #tpu.memory_space<vmem>> -> memref<40064xf32, #tpu.memory_space<vmem>>
    tpu.enqueue_dma source(%dma_start3A_80 : memref<40064xf32, #tpu.memory_space<vmem>>) target(%dma_start3A_77 : memref<40064xf32, #tpu.memory_space<any>>) target_semaphore(%arg3 : memref<!tpu.dma_semaphore, #tpu.memory_space<semaphore_mem>>)
    %dma_start3A_81 = arith.constant 13 : i32
    %dma_start3A_82 = arith.constant 520832 : i32
    %dma_start3A_83 = tpu.memref_slice %arg1[%dma_start3A_82] : memref<2564096xf32, #tpu.memory_space<any>> -> memref<40064xf32, #tpu.memory_space<any>>
    %dma_start3A_84 = arith.constant 0 : i32
    %dma_start3A_85 = tpu.memref_slice %arg2[%dma_start3A_81, %dma_start3A_84] : memref<64x40064xf32, #tpu.memory_space<vmem>> -> memref<1x40064xf32, #tpu.memory_space<vmem>>
    %dma_start3A_86 = tpu.memref_squeeze %dma_start3A_85 : memref<1x40064xf32, #tpu.memory_space<vmem>> -> memref<40064xf32, #tpu.memory_space<vmem>>
    tpu.enqueue_dma source(%dma_start3A_86 : memref<40064xf32, #tpu.memory_space<vmem>>) target(%dma_start3A_83 : memref<40064xf32, #tpu.memory_space<any>>) target_semaphore(%arg3 : memref<!tpu.dma_semaphore, #tpu.memory_space<semaphore_mem>>)
    %dma_start3A_87 = arith.constant 14 : i32
    %dma_start3A_88 = arith.constant 560896 : i32
    %dma_start3A_89 = tpu.memref_slice %arg1[%dma_start3A_88] : memref<2564096xf32, #tpu.memory_space<any>> -> memref<40064xf32, #tpu.memory_space<any>>
    %dma_start3A_90 = arith.constant 0 : i32
    %dma_start3A_91 = tpu.memref_slice %arg2[%dma_start3A_87, %dma_start3A_90] : memref<64x40064xf32, #tpu.memory_space<vmem>> -> memref<1x40064xf32, #tpu.memory_space<vmem>>
    %dma_start3A_92 = tpu.memref_squeeze %dma_start3A_91 : memref<1x40064xf32, #tpu.memory_space<vmem>> -> memref<40064xf32, #tpu.memory_space<vmem>>
    tpu.enqueue_dma source(%dma_start3A_92 : memref<40064xf32, #tpu.memory_space<vmem>>) target(%dma_start3A_89 : memref<40064xf32, #tpu.memory_space<any>>) target_semaphore(%arg3 : memref<!tpu.dma_semaphore, #tpu.memory_space<semaphore_mem>>)
    %dma_start3A_93 = arith.constant 15 : i32
    %dma_start3A_94 = arith.constant 600960 : i32
    %dma_start3A_95 = tpu.memref_slice %arg1[%dma_start3A_94] : memref<2564096xf32, #tpu.memory_space<any>> -> memref<40064xf32, #tpu.memory_space<any>>
    %dma_start3A_96 = arith.constant 0 : i32
    %dma_start3A_97 = tpu.memref_slice %arg2[%dma_start3A_93, %dma_start3A_96] : memref<64x40064xf32, #tpu.memory_space<vmem>> -> memref<1x40064xf32, #tpu.memory_space<vmem>>
    %dma_start3A_98 = tpu.memref_squeeze %dma_start3A_97 : memref<1x40064xf32, #tpu.memory_space<vmem>> -> memref<40064xf32, #tpu.memory_space<vmem>>
    tpu.enqueue_dma source(%dma_start3A_98 : memref<40064xf32, #tpu.memory_space<vmem>>) target(%dma_start3A_95 : memref<40064xf32, #tpu.memory_space<any>>) target_semaphore(%arg3 : memref<!tpu.dma_semaphore, #tpu.memory_space<semaphore_mem>>)
    %dma_start3A_99 = arith.constant 16 : i32
    %dma_start3A_100 = arith.constant 641024 : i32
    %dma_start3A_101 = tpu.memref_slice %arg1[%dma_start3A_100] : memref<2564096xf32, #tpu.memory_space<any>> -> memref<40064xf32, #tpu.memory_space<any>>
    %dma_start3A_102 = arith.constant 0 : i32
    %dma_start3A_103 = tpu.memref_slice %arg2[%dma_start3A_99, %dma_start3A_102] : memref<64x40064xf32, #tpu.memory_space<vmem>> -> memref<1x40064xf32, #tpu.memory_space<vmem>>
    %dma_start3A_104 = tpu.memref_squeeze %dma_start3A_103 : memref<1x40064xf32, #tpu.memory_space<vmem>> -> memref<40064xf32, #tpu.memory_space<vmem>>
    tpu.enqueue_dma source(%dma_start3A_104 : memref<40064xf32, #tpu.memory_space<vmem>>) target(%dma_start3A_101 : memref<40064xf32, #tpu.memory_space<any>>) target_semaphore(%arg3 : memref<!tpu.dma_semaphore, #tpu.memory_space<semaphore_mem>>)
    %dma_start3A_105 = arith.constant 17 : i32
    %dma_start3A_106 = arith.constant 681088 : i32
    %dma_start3A_107 = tpu.memref_slice %arg1[%dma_start3A_106] : memref<2564096xf32, #tpu.memory_space<any>> -> memref<40064xf32, #tpu.memory_space<any>>
    %dma_start3A_108 = arith.constant 0 : i32
    %dma_start3A_109 = tpu.memref_slice %arg2[%dma_start3A_105, %dma_start3A_108] : memref<64x40064xf32, #tpu.memory_space<vmem>> -> memref<1x40064xf32, #tpu.memory_space<vmem>>
    %dma_start3A_110 = tpu.memref_squeeze %dma_start3A_109 : memref<1x40064xf32, #tpu.memory_space<vmem>> -> memref<40064xf32, #tpu.memory_space<vmem>>
    tpu.enqueue_dma source(%dma_start3A_110 : memref<40064xf32, #tpu.memory_space<vmem>>) target(%dma_start3A_107 : memref<40064xf32, #tpu.memory_space<any>>) target_semaphore(%arg3 : memref<!tpu.dma_semaphore, #tpu.memory_space<semaphore_mem>>)
    %dma_start3A_111 = arith.constant 18 : i32
    %dma_start3A_112 = arith.constant 721152 : i32
    %dma_start3A_113 = tpu.memref_slice %arg1[%dma_start3A_112] : memref<2564096xf32, #tpu.memory_space<any>> -> memref<40064xf32, #tpu.memory_space<any>>
    %dma_start3A_114 = arith.constant 0 : i32
    %dma_start3A_115 = tpu.memref_slice %arg2[%dma_start3A_111, %dma_start3A_114] : memref<64x40064xf32, #tpu.memory_space<vmem>> -> memref<1x40064xf32, #tpu.memory_space<vmem>>
    %dma_start3A_116 = tpu.memref_squeeze %dma_start3A_115 : memref<1x40064xf32, #tpu.memory_space<vmem>> -> memref<40064xf32, #tpu.memory_space<vmem>>
    tpu.enqueue_dma source(%dma_start3A_116 : memref<40064xf32, #tpu.memory_space<vmem>>) target(%dma_start3A_113 : memref<40064xf32, #tpu.memory_space<any>>) target_semaphore(%arg3 : memref<!tpu.dma_semaphore, #tpu.memory_space<semaphore_mem>>)
    %dma_start3A_117 = arith.constant 19 : i32
    %dma_start3A_118 = arith.constant 761216 : i32
    %dma_start3A_119 = tpu.memref_slice %arg1[%dma_start3A_118] : memref<2564096xf32, #tpu.memory_space<any>> -> memref<40064xf32, #tpu.memory_space<any>>
    %dma_start3A_120 = arith.constant 0 : i32
    %dma_start3A_121 = tpu.memref_slice %arg2[%dma_start3A_117, %dma_start3A_120] : memref<64x40064xf32, #tpu.memory_space<vmem>> -> memref<1x40064xf32, #tpu.memory_space<vmem>>
    %dma_start3A_122 = tpu.memref_squeeze %dma_start3A_121 : memref<1x40064xf32, #tpu.memory_space<vmem>> -> memref<40064xf32, #tpu.memory_space<vmem>>
    tpu.enqueue_dma source(%dma_start3A_122 : memref<40064xf32, #tpu.memory_space<vmem>>) target(%dma_start3A_119 : memref<40064xf32, #tpu.memory_space<any>>) target_semaphore(%arg3 : memref<!tpu.dma_semaphore, #tpu.memory_space<semaphore_mem>>)
    %dma_start3A_123 = arith.constant 20 : i32
    %dma_start3A_124 = arith.constant 801280 : i32
    %dma_start3A_125 = tpu.memref_slice %arg1[%dma_start3A_124] : memref<2564096xf32, #tpu.memory_space<any>> -> memref<40064xf32, #tpu.memory_space<any>>
    %dma_start3A_126 = arith.constant 0 : i32
    %dma_start3A_127 = tpu.memref_slice %arg2[%dma_start3A_123, %dma_start3A_126] : memref<64x40064xf32, #tpu.memory_space<vmem>> -> memref<1x40064xf32, #tpu.memory_space<vmem>>
    %dma_start3A_128 = tpu.memref_squeeze %dma_start3A_127 : memref<1x40064xf32, #tpu.memory_space<vmem>> -> memref<40064xf32, #tpu.memory_space<vmem>>
    tpu.enqueue_dma source(%dma_start3A_128 : memref<40064xf32, #tpu.memory_space<vmem>>) target(%dma_start3A_125 : memref<40064xf32, #tpu.memory_space<any>>) target_semaphore(%arg3 : memref<!tpu.dma_semaphore, #tpu.memory_space<semaphore_mem>>)
    %dma_start3A_129 = arith.constant 21 : i32
    %dma_start3A_130 = arith.constant 841344 : i32
    %dma_start3A_131 = tpu.memref_slice %arg1[%dma_start3A_130] : memref<2564096xf32, #tpu.memory_space<any>> -> memref<40064xf32, #tpu.memory_space<any>>
    %dma_start3A_132 = arith.constant 0 : i32
    %dma_start3A_133 = tpu.memref_slice %arg2[%dma_start3A_129, %dma_start3A_132] : memref<64x40064xf32, #tpu.memory_space<vmem>> -> memref<1x40064xf32, #tpu.memory_space<vmem>>
    %dma_start3A_134 = tpu.memref_squeeze %dma_start3A_133 : memref<1x40064xf32, #tpu.memory_space<vmem>> -> memref<40064xf32, #tpu.memory_space<vmem>>
    tpu.enqueue_dma source(%dma_start3A_134 : memref<40064xf32, #tpu.memory_space<vmem>>) target(%dma_start3A_131 : memref<40064xf32, #tpu.memory_space<any>>) target_semaphore(%arg3 : memref<!tpu.dma_semaphore, #tpu.memory_space<semaphore_mem>>)
    %dma_start3A_135 = arith.constant 22 : i32
    %dma_start3A_136 = arith.constant 881408 : i32
    %dma_start3A_137 = tpu.memref_slice %arg1[%dma_start3A_136] : memref<2564096xf32, #tpu.memory_space<any>> -> memref<40064xf32, #tpu.memory_space<any>>
    %dma_start3A_138 = arith.constant 0 : i32
    %dma_start3A_139 = tpu.memref_slice %arg2[%dma_start3A_135, %dma_start3A_138] : memref<64x40064xf32, #tpu.memory_space<vmem>> -> memref<1x40064xf32, #tpu.memory_space<vmem>>
    %dma_start3A_140 = tpu.memref_squeeze %dma_start3A_139 : memref<1x40064xf32, #tpu.memory_space<vmem>> -> memref<40064xf32, #tpu.memory_space<vmem>>
    tpu.enqueue_dma source(%dma_start3A_140 : memref<40064xf32, #tpu.memory_space<vmem>>) target(%dma_start3A_137 : memref<40064xf32, #tpu.memory_space<any>>) target_semaphore(%arg3 : memref<!tpu.dma_semaphore, #tpu.memory_space<semaphore_mem>>)
    %dma_start3A_141 = arith.constant 23 : i32
    %dma_start3A_142 = arith.constant 921472 : i32
    %dma_start3A_143 = tpu.memref_slice %arg1[%dma_start3A_142] : memref<2564096xf32, #tpu.memory_space<any>> -> memref<40064xf32, #tpu.memory_space<any>>
    %dma_start3A_144 = arith.constant 0 : i32
    %dma_start3A_145 = tpu.memref_slice %arg2[%dma_start3A_141, %dma_start3A_144] : memref<64x40064xf32, #tpu.memory_space<vmem>> -> memref<1x40064xf32, #tpu.memory_space<vmem>>
    %dma_start3A_146 = tpu.memref_squeeze %dma_start3A_145 : memref<1x40064xf32, #tpu.memory_space<vmem>> -> memref<40064xf32, #tpu.memory_space<vmem>>
    tpu.enqueue_dma source(%dma_start3A_146 : memref<40064xf32, #tpu.memory_space<vmem>>) target(%dma_start3A_143 : memref<40064xf32, #tpu.memory_space<any>>) target_semaphore(%arg3 : memref<!tpu.dma_semaphore, #tpu.memory_space<semaphore_mem>>)
    %dma_start3A_147 = arith.constant 24 : i32
    %dma_start3A_148 = arith.constant 961536 : i32
    %dma_start3A_149 = tpu.memref_slice %arg1[%dma_start3A_148] : memref<2564096xf32, #tpu.memory_space<any>> -> memref<40064xf32, #tpu.memory_space<any>>
    %dma_start3A_150 = arith.constant 0 : i32
    %dma_start3A_151 = tpu.memref_slice %arg2[%dma_start3A_147, %dma_start3A_150] : memref<64x40064xf32, #tpu.memory_space<vmem>> -> memref<1x40064xf32, #tpu.memory_space<vmem>>
    %dma_start3A_152 = tpu.memref_squeeze %dma_start3A_151 : memref<1x40064xf32, #tpu.memory_space<vmem>> -> memref<40064xf32, #tpu.memory_space<vmem>>
    tpu.enqueue_dma source(%dma_start3A_152 : memref<40064xf32, #tpu.memory_space<vmem>>) target(%dma_start3A_149 : memref<40064xf32, #tpu.memory_space<any>>) target_semaphore(%arg3 : memref<!tpu.dma_semaphore, #tpu.memory_space<semaphore_mem>>)
    %dma_start3A_153 = arith.constant 25 : i32
    %dma_start3A_154 = arith.constant 1001600 : i32
    %dma_start3A_155 = tpu.memref_slice %arg1[%dma_start3A_154] : memref<2564096xf32, #tpu.memory_space<any>> -> memref<40064xf32, #tpu.memory_space<any>>
    %dma_start3A_156 = arith.constant 0 : i32
    %dma_start3A_157 = tpu.memref_slice %arg2[%dma_start3A_153, %dma_start3A_156] : memref<64x40064xf32, #tpu.memory_space<vmem>> -> memref<1x40064xf32, #tpu.memory_space<vmem>>
    %dma_start3A_158 = tpu.memref_squeeze %dma_start3A_157 : memref<1x40064xf32, #tpu.memory_space<vmem>> -> memref<40064xf32, #tpu.memory_space<vmem>>
    tpu.enqueue_dma source(%dma_start3A_158 : memref<40064xf32, #tpu.memory_space<vmem>>) target(%dma_start3A_155 : memref<40064xf32, #tpu.memory_space<any>>) target_semaphore(%arg3 : memref<!tpu.dma_semaphore, #tpu.memory_space<semaphore_mem>>)
    %dma_start3A_159 = arith.constant 26 : i32
    %dma_start3A_160 = arith.constant 1041664 : i32
    %dma_start3A_161 = tpu.memref_slice %arg1[%dma_start3A_160] : memref<2564096xf32, #tpu.memory_space<any>> -> memref<40064xf32, #tpu.memory_space<any>>
    %dma_start3A_162 = arith.constant 0 : i32
    %dma_start3A_163 = tpu.memref_slice %arg2[%dma_start3A_159, %dma_start3A_162] : memref<64x40064xf32, #tpu.memory_space<vmem>> -> memref<1x40064xf32, #tpu.memory_space<vmem>>
    %dma_start3A_164 = tpu.memref_squeeze %dma_start3A_163 : memref<1x40064xf32, #tpu.memory_space<vmem>> -> memref<40064xf32, #tpu.memory_space<vmem>>
    tpu.enqueue_dma source(%dma_start3A_164 : memref<40064xf32, #tpu.memory_space<vmem>>) target(%dma_start3A_161 : memref<40064xf32, #tpu.memory_space<any>>) target_semaphore(%arg3 : memref<!tpu.dma_semaphore, #tpu.memory_space<semaphore_mem>>)
    %dma_start3A_165 = arith.constant 27 : i32
    %dma_start3A_166 = arith.constant 1081728 : i32
    %dma_start3A_167 = tpu.memref_slice %arg1[%dma_start3A_166] : memref<2564096xf32, #tpu.memory_space<any>> -> memref<40064xf32, #tpu.memory_space<any>>
    %dma_start3A_168 = arith.constant 0 : i32
    %dma_start3A_169 = tpu.memref_slice %arg2[%dma_start3A_165, %dma_start3A_168] : memref<64x40064xf32, #tpu.memory_space<vmem>> -> memref<1x40064xf32, #tpu.memory_space<vmem>>
    %dma_start3A_170 = tpu.memref_squeeze %dma_start3A_169 : memref<1x40064xf32, #tpu.memory_space<vmem>> -> memref<40064xf32, #tpu.memory_space<vmem>>
    tpu.enqueue_dma source(%dma_start3A_170 : memref<40064xf32, #tpu.memory_space<vmem>>) target(%dma_start3A_167 : memref<40064xf32, #tpu.memory_space<any>>) target_semaphore(%arg3 : memref<!tpu.dma_semaphore, #tpu.memory_space<semaphore_mem>>)
    %dma_start3A_171 = arith.constant 28 : i32
    %dma_start3A_172 = arith.constant 1121792 : i32
    %dma_start3A_173 = tpu.memref_slice %arg1[%dma_start3A_172] : memref<2564096xf32, #tpu.memory_space<any>> -> memref<40064xf32, #tpu.memory_space<any>>
    %dma_start3A_174 = arith.constant 0 : i32
    %dma_start3A_175 = tpu.memref_slice %arg2[%dma_start3A_171, %dma_start3A_174] : memref<64x40064xf32, #tpu.memory_space<vmem>> -> memref<1x40064xf32, #tpu.memory_space<vmem>>
    %dma_start3A_176 = tpu.memref_squeeze %dma_start3A_175 : memref<1x40064xf32, #tpu.memory_space<vmem>> -> memref<40064xf32, #tpu.memory_space<vmem>>
    tpu.enqueue_dma source(%dma_start3A_176 : memref<40064xf32, #tpu.memory_space<vmem>>) target(%dma_start3A_173 : memref<40064xf32, #tpu.memory_space<any>>) target_semaphore(%arg3 : memref<!tpu.dma_semaphore, #tpu.memory_space<semaphore_mem>>)
    %dma_start3A_177 = arith.constant 29 : i32
    %dma_start3A_178 = arith.constant 1161856 : i32
    %dma_start3A_179 = tpu.memref_slice %arg1[%dma_start3A_178] : memref<2564096xf32, #tpu.memory_space<any>> -> memref<40064xf32, #tpu.memory_space<any>>
    %dma_start3A_180 = arith.constant 0 : i32
    %dma_start3A_181 = tpu.memref_slice %arg2[%dma_start3A_177, %dma_start3A_180] : memref<64x40064xf32, #tpu.memory_space<vmem>> -> memref<1x40064xf32, #tpu.memory_space<vmem>>
    %dma_start3A_182 = tpu.memref_squeeze %dma_start3A_181 : memref<1x40064xf32, #tpu.memory_space<vmem>> -> memref<40064xf32, #tpu.memory_space<vmem>>
    tpu.enqueue_dma source(%dma_start3A_182 : memref<40064xf32, #tpu.memory_space<vmem>>) target(%dma_start3A_179 : memref<40064xf32, #tpu.memory_space<any>>) target_semaphore(%arg3 : memref<!tpu.dma_semaphore, #tpu.memory_space<semaphore_mem>>)
    %dma_start3A_183 = arith.constant 30 : i32
    %dma_start3A_184 = arith.constant 1201920 : i32
    %dma_start3A_185 = tpu.memref_slice %arg1[%dma_start3A_184] : memref<2564096xf32, #tpu.memory_space<any>> -> memref<40064xf32, #tpu.memory_space<any>>
    %dma_start3A_186 = arith.constant 0 : i32
    %dma_start3A_187 = tpu.memref_slice %arg2[%dma_start3A_183, %dma_start3A_186] : memref<64x40064xf32, #tpu.memory_space<vmem>> -> memref<1x40064xf32, #tpu.memory_space<vmem>>
    %dma_start3A_188 = tpu.memref_squeeze %dma_start3A_187 : memref<1x40064xf32, #tpu.memory_space<vmem>> -> memref<40064xf32, #tpu.memory_space<vmem>>
    tpu.enqueue_dma source(%dma_start3A_188 : memref<40064xf32, #tpu.memory_space<vmem>>) target(%dma_start3A_185 : memref<40064xf32, #tpu.memory_space<any>>) target_semaphore(%arg3 : memref<!tpu.dma_semaphore, #tpu.memory_space<semaphore_mem>>)
    %dma_start3A_189 = arith.constant 31 : i32
    %dma_start3A_190 = arith.constant 1241984 : i32
    %dma_start3A_191 = tpu.memref_slice %arg1[%dma_start3A_190] : memref<2564096xf32, #tpu.memory_space<any>> -> memref<40064xf32, #tpu.memory_space<any>>
    %dma_start3A_192 = arith.constant 0 : i32
    %dma_start3A_193 = tpu.memref_slice %arg2[%dma_start3A_189, %dma_start3A_192] : memref<64x40064xf32, #tpu.memory_space<vmem>> -> memref<1x40064xf32, #tpu.memory_space<vmem>>
    %dma_start3A_194 = tpu.memref_squeeze %dma_start3A_193 : memref<1x40064xf32, #tpu.memory_space<vmem>> -> memref<40064xf32, #tpu.memory_space<vmem>>
    tpu.enqueue_dma source(%dma_start3A_194 : memref<40064xf32, #tpu.memory_space<vmem>>) target(%dma_start3A_191 : memref<40064xf32, #tpu.memory_space<any>>) target_semaphore(%arg3 : memref<!tpu.dma_semaphore, #tpu.memory_space<semaphore_mem>>)
    %dma_start3A_195 = arith.constant 32 : i32
    %dma_start3A_196 = arith.constant 1282048 : i32
    %dma_start3A_197 = tpu.memref_slice %arg1[%dma_start3A_196] : memref<2564096xf32, #tpu.memory_space<any>> -> memref<40064xf32, #tpu.memory_space<any>>
    %dma_start3A_198 = arith.constant 0 : i32
    %dma_start3A_199 = tpu.memref_slice %arg2[%dma_start3A_195, %dma_start3A_198] : memref<64x40064xf32, #tpu.memory_space<vmem>> -> memref<1x40064xf32, #tpu.memory_space<vmem>>
    %dma_start3A_200 = tpu.memref_squeeze %dma_start3A_199 : memref<1x40064xf32, #tpu.memory_space<vmem>> -> memref<40064xf32, #tpu.memory_space<vmem>>
    tpu.enqueue_dma source(%dma_start3A_200 : memref<40064xf32, #tpu.memory_space<vmem>>) target(%dma_start3A_197 : memref<40064xf32, #tpu.memory_space<any>>) target_semaphore(%arg3 : memref<!tpu.dma_semaphore, #tpu.memory_space<semaphore_mem>>)
    %dma_start3A_201 = arith.constant 33 : i32
    %dma_start3A_202 = arith.constant 1322112 : i32
    %dma_start3A_203 = tpu.memref_slice %arg1[%dma_start3A_202] : memref<2564096xf32, #tpu.memory_space<any>> -> memref<40064xf32, #tpu.memory_space<any>>
    %dma_start3A_204 = arith.constant 0 : i32
    %dma_start3A_205 = tpu.memref_slice %arg2[%dma_start3A_201, %dma_start3A_204] : memref<64x40064xf32, #tpu.memory_space<vmem>> -> memref<1x40064xf32, #tpu.memory_space<vmem>>
    %dma_start3A_206 = tpu.memref_squeeze %dma_start3A_205 : memref<1x40064xf32, #tpu.memory_space<vmem>> -> memref<40064xf32, #tpu.memory_space<vmem>>
    tpu.enqueue_dma source(%dma_start3A_206 : memref<40064xf32, #tpu.memory_space<vmem>>) target(%dma_start3A_203 : memref<40064xf32, #tpu.memory_space<any>>) target_semaphore(%arg3 : memref<!tpu.dma_semaphore, #tpu.memory_space<semaphore_mem>>)
    %dma_start3A_207 = arith.constant 34 : i32
    %dma_start3A_208 = arith.constant 1362176 : i32
    %dma_start3A_209 = tpu.memref_slice %arg1[%dma_start3A_208] : memref<2564096xf32, #tpu.memory_space<any>> -> memref<40064xf32, #tpu.memory_space<any>>
    %dma_start3A_210 = arith.constant 0 : i32
    %dma_start3A_211 = tpu.memref_slice %arg2[%dma_start3A_207, %dma_start3A_210] : memref<64x40064xf32, #tpu.memory_space<vmem>> -> memref<1x40064xf32, #tpu.memory_space<vmem>>
    %dma_start3A_212 = tpu.memref_squeeze %dma_start3A_211 : memref<1x40064xf32, #tpu.memory_space<vmem>> -> memref<40064xf32, #tpu.memory_space<vmem>>
    tpu.enqueue_dma source(%dma_start3A_212 : memref<40064xf32, #tpu.memory_space<vmem>>) target(%dma_start3A_209 : memref<40064xf32, #tpu.memory_space<any>>) target_semaphore(%arg3 : memref<!tpu.dma_semaphore, #tpu.memory_space<semaphore_mem>>)
    %dma_start3A_213 = arith.constant 35 : i32
    %dma_start3A_214 = arith.constant 1402240 : i32
    %dma_start3A_215 = tpu.memref_slice %arg1[%dma_start3A_214] : memref<2564096xf32, #tpu.memory_space<any>> -> memref<40064xf32, #tpu.memory_space<any>>
    %dma_start3A_216 = arith.constant 0 : i32
    %dma_start3A_217 = tpu.memref_slice %arg2[%dma_start3A_213, %dma_start3A_216] : memref<64x40064xf32, #tpu.memory_space<vmem>> -> memref<1x40064xf32, #tpu.memory_space<vmem>>
    %dma_start3A_218 = tpu.memref_squeeze %dma_start3A_217 : memref<1x40064xf32, #tpu.memory_space<vmem>> -> memref<40064xf32, #tpu.memory_space<vmem>>
    tpu.enqueue_dma source(%dma_start3A_218 : memref<40064xf32, #tpu.memory_space<vmem>>) target(%dma_start3A_215 : memref<40064xf32, #tpu.memory_space<any>>) target_semaphore(%arg3 : memref<!tpu.dma_semaphore, #tpu.memory_space<semaphore_mem>>)
    %dma_start3A_219 = arith.constant 36 : i32
    %dma_start3A_220 = arith.constant 1442304 : i32
    %dma_start3A_221 = tpu.memref_slice %arg1[%dma_start3A_220] : memref<2564096xf32, #tpu.memory_space<any>> -> memref<40064xf32, #tpu.memory_space<any>>
    %dma_start3A_222 = arith.constant 0 : i32
    %dma_start3A_223 = tpu.memref_slice %arg2[%dma_start3A_219, %dma_start3A_222] : memref<64x40064xf32, #tpu.memory_space<vmem>> -> memref<1x40064xf32, #tpu.memory_space<vmem>>
    %dma_start3A_224 = tpu.memref_squeeze %dma_start3A_223 : memref<1x40064xf32, #tpu.memory_space<vmem>> -> memref<40064xf32, #tpu.memory_space<vmem>>
    tpu.enqueue_dma source(%dma_start3A_224 : memref<40064xf32, #tpu.memory_space<vmem>>) target(%dma_start3A_221 : memref<40064xf32, #tpu.memory_space<any>>) target_semaphore(%arg3 : memref<!tpu.dma_semaphore, #tpu.memory_space<semaphore_mem>>)
    %dma_start3A_225 = arith.constant 37 : i32
    %dma_start3A_226 = arith.constant 1482368 : i32
    %dma_start3A_227 = tpu.memref_slice %arg1[%dma_start3A_226] : memref<2564096xf32, #tpu.memory_space<any>> -> memref<40064xf32, #tpu.memory_space<any>>
    %dma_start3A_228 = arith.constant 0 : i32
    %dma_start3A_229 = tpu.memref_slice %arg2[%dma_start3A_225, %dma_start3A_228] : memref<64x40064xf32, #tpu.memory_space<vmem>> -> memref<1x40064xf32, #tpu.memory_space<vmem>>
    %dma_start3A_230 = tpu.memref_squeeze %dma_start3A_229 : memref<1x40064xf32, #tpu.memory_space<vmem>> -> memref<40064xf32, #tpu.memory_space<vmem>>
    tpu.enqueue_dma source(%dma_start3A_230 : memref<40064xf32, #tpu.memory_space<vmem>>) target(%dma_start3A_227 : memref<40064xf32, #tpu.memory_space<any>>) target_semaphore(%arg3 : memref<!tpu.dma_semaphore, #tpu.memory_space<semaphore_mem>>)
    %dma_start3A_231 = arith.constant 38 : i32
    %dma_start3A_232 = arith.constant 1522432 : i32
    %dma_start3A_233 = tpu.memref_slice %arg1[%dma_start3A_232] : memref<2564096xf32, #tpu.memory_space<any>> -> memref<40064xf32, #tpu.memory_space<any>>
    %dma_start3A_234 = arith.constant 0 : i32
    %dma_start3A_235 = tpu.memref_slice %arg2[%dma_start3A_231, %dma_start3A_234] : memref<64x40064xf32, #tpu.memory_space<vmem>> -> memref<1x40064xf32, #tpu.memory_space<vmem>>
    %dma_start3A_236 = tpu.memref_squeeze %dma_start3A_235 : memref<1x40064xf32, #tpu.memory_space<vmem>> -> memref<40064xf32, #tpu.memory_space<vmem>>
    tpu.enqueue_dma source(%dma_start3A_236 : memref<40064xf32, #tpu.memory_space<vmem>>) target(%dma_start3A_233 : memref<40064xf32, #tpu.memory_space<any>>) target_semaphore(%arg3 : memref<!tpu.dma_semaphore, #tpu.memory_space<semaphore_mem>>)
    %dma_start3A_237 = arith.constant 39 : i32
    %dma_start3A_238 = arith.constant 1562496 : i32
    %dma_start3A_239 = tpu.memref_slice %arg1[%dma_start3A_238] : memref<2564096xf32, #tpu.memory_space<any>> -> memref<40064xf32, #tpu.memory_space<any>>
    %dma_start3A_240 = arith.constant 0 : i32
    %dma_start3A_241 = tpu.memref_slice %arg2[%dma_start3A_237, %dma_start3A_240] : memref<64x40064xf32, #tpu.memory_space<vmem>> -> memref<1x40064xf32, #tpu.memory_space<vmem>>
    %dma_start3A_242 = tpu.memref_squeeze %dma_start3A_241 : memref<1x40064xf32, #tpu.memory_space<vmem>> -> memref<40064xf32, #tpu.memory_space<vmem>>
    tpu.enqueue_dma source(%dma_start3A_242 : memref<40064xf32, #tpu.memory_space<vmem>>) target(%dma_start3A_239 : memref<40064xf32, #tpu.memory_space<any>>) target_semaphore(%arg3 : memref<!tpu.dma_semaphore, #tpu.memory_space<semaphore_mem>>)
    %dma_start3A_243 = arith.constant 40 : i32
    %dma_start3A_244 = arith.constant 1602560 : i32
    %dma_start3A_245 = tpu.memref_slice %arg1[%dma_start3A_244] : memref<2564096xf32, #tpu.memory_space<any>> -> memref<40064xf32, #tpu.memory_space<any>>
    %dma_start3A_246 = arith.constant 0 : i32
    %dma_start3A_247 = tpu.memref_slice %arg2[%dma_start3A_243, %dma_start3A_246] : memref<64x40064xf32, #tpu.memory_space<vmem>> -> memref<1x40064xf32, #tpu.memory_space<vmem>>
    %dma_start3A_248 = tpu.memref_squeeze %dma_start3A_247 : memref<1x40064xf32, #tpu.memory_space<vmem>> -> memref<40064xf32, #tpu.memory_space<vmem>>
    tpu.enqueue_dma source(%dma_start3A_248 : memref<40064xf32, #tpu.memory_space<vmem>>) target(%dma_start3A_245 : memref<40064xf32, #tpu.memory_space<any>>) target_semaphore(%arg3 : memref<!tpu.dma_semaphore, #tpu.memory_space<semaphore_mem>>)
    %dma_start3A_249 = arith.constant 41 : i32
    %dma_start3A_250 = arith.constant 1642624 : i32
    %dma_start3A_251 = tpu.memref_slice %arg1[%dma_start3A_250] : memref<2564096xf32, #tpu.memory_space<any>> -> memref<40064xf32, #tpu.memory_space<any>>
    %dma_start3A_252 = arith.constant 0 : i32
    %dma_start3A_253 = tpu.memref_slice %arg2[%dma_start3A_249, %dma_start3A_252] : memref<64x40064xf32, #tpu.memory_space<vmem>> -> memref<1x40064xf32, #tpu.memory_space<vmem>>
    %dma_start3A_254 = tpu.memref_squeeze %dma_start3A_253 : memref<1x40064xf32, #tpu.memory_space<vmem>> -> memref<40064xf32, #tpu.memory_space<vmem>>
    tpu.enqueue_dma source(%dma_start3A_254 : memref<40064xf32, #tpu.memory_space<vmem>>) target(%dma_start3A_251 : memref<40064xf32, #tpu.memory_space<any>>) target_semaphore(%arg3 : memref<!tpu.dma_semaphore, #tpu.memory_space<semaphore_mem>>)
    %dma_start3A_255 = arith.constant 42 : i32
    %dma_start3A_256 = arith.constant 1682688 : i32
    %dma_start3A_257 = tpu.memref_slice %arg1[%dma_start3A_256] : memref<2564096xf32, #tpu.memory_space<any>> -> memref<40064xf32, #tpu.memory_space<any>>
    %dma_start3A_258 = arith.constant 0 : i32
    %dma_start3A_259 = tpu.memref_slice %arg2[%dma_start3A_255, %dma_start3A_258] : memref<64x40064xf32, #tpu.memory_space<vmem>> -> memref<1x40064xf32, #tpu.memory_space<vmem>>
    %dma_start3A_260 = tpu.memref_squeeze %dma_start3A_259 : memref<1x40064xf32, #tpu.memory_space<vmem>> -> memref<40064xf32, #tpu.memory_space<vmem>>
    tpu.enqueue_dma source(%dma_start3A_260 : memref<40064xf32, #tpu.memory_space<vmem>>) target(%dma_start3A_257 : memref<40064xf32, #tpu.memory_space<any>>) target_semaphore(%arg3 : memref<!tpu.dma_semaphore, #tpu.memory_space<semaphore_mem>>)
    %dma_start3A_261 = arith.constant 43 : i32
    %dma_start3A_262 = arith.constant 1722752 : i32
    %dma_start3A_263 = tpu.memref_slice %arg1[%dma_start3A_262] : memref<2564096xf32, #tpu.memory_space<any>> -> memref<40064xf32, #tpu.memory_space<any>>
    %dma_start3A_264 = arith.constant 0 : i32
    %dma_start3A_265 = tpu.memref_slice %arg2[%dma_start3A_261, %dma_start3A_264] : memref<64x40064xf32, #tpu.memory_space<vmem>> -> memref<1x40064xf32, #tpu.memory_space<vmem>>
    %dma_start3A_266 = tpu.memref_squeeze %dma_start3A_265 : memref<1x40064xf32, #tpu.memory_space<vmem>> -> memref<40064xf32, #tpu.memory_space<vmem>>
    tpu.enqueue_dma source(%dma_start3A_266 : memref<40064xf32, #tpu.memory_space<vmem>>) target(%dma_start3A_263 : memref<40064xf32, #tpu.memory_space<any>>) target_semaphore(%arg3 : memref<!tpu.dma_semaphore, #tpu.memory_space<semaphore_mem>>)
    %dma_start3A_267 = arith.constant 44 : i32
    %dma_start3A_268 = arith.constant 1762816 : i32
    %dma_start3A_269 = tpu.memref_slice %arg1[%dma_start3A_268] : memref<2564096xf32, #tpu.memory_space<any>> -> memref<40064xf32, #tpu.memory_space<any>>
    %dma_start3A_270 = arith.constant 0 : i32
    %dma_start3A_271 = tpu.memref_slice %arg2[%dma_start3A_267, %dma_start3A_270] : memref<64x40064xf32, #tpu.memory_space<vmem>> -> memref<1x40064xf32, #tpu.memory_space<vmem>>
    %dma_start3A_272 = tpu.memref_squeeze %dma_start3A_271 : memref<1x40064xf32, #tpu.memory_space<vmem>> -> memref<40064xf32, #tpu.memory_space<vmem>>
    tpu.enqueue_dma source(%dma_start3A_272 : memref<40064xf32, #tpu.memory_space<vmem>>) target(%dma_start3A_269 : memref<40064xf32, #tpu.memory_space<any>>) target_semaphore(%arg3 : memref<!tpu.dma_semaphore, #tpu.memory_space<semaphore_mem>>)
    %dma_start3A_273 = arith.constant 45 : i32
    %dma_start3A_274 = arith.constant 1802880 : i32
    %dma_start3A_275 = tpu.memref_slice %arg1[%dma_start3A_274] : memref<2564096xf32, #tpu.memory_space<any>> -> memref<40064xf32, #tpu.memory_space<any>>
    %dma_start3A_276 = arith.constant 0 : i32
    %dma_start3A_277 = tpu.memref_slice %arg2[%dma_start3A_273, %dma_start3A_276] : memref<64x40064xf32, #tpu.memory_space<vmem>> -> memref<1x40064xf32, #tpu.memory_space<vmem>>
    %dma_start3A_278 = tpu.memref_squeeze %dma_start3A_277 : memref<1x40064xf32, #tpu.memory_space<vmem>> -> memref<40064xf32, #tpu.memory_space<vmem>>
    tpu.enqueue_dma source(%dma_start3A_278 : memref<40064xf32, #tpu.memory_space<vmem>>) target(%dma_start3A_275 : memref<40064xf32, #tpu.memory_space<any>>) target_semaphore(%arg3 : memref<!tpu.dma_semaphore, #tpu.memory_space<semaphore_mem>>)
    %dma_start3A_279 = arith.constant 46 : i32
    %dma_start3A_280 = arith.constant 1842944 : i32
    %dma_start3A_281 = tpu.memref_slice %arg1[%dma_start3A_280] : memref<2564096xf32, #tpu.memory_space<any>> -> memref<40064xf32, #tpu.memory_space<any>>
    %dma_start3A_282 = arith.constant 0 : i32
    %dma_start3A_283 = tpu.memref_slice %arg2[%dma_start3A_279, %dma_start3A_282] : memref<64x40064xf32, #tpu.memory_space<vmem>> -> memref<1x40064xf32, #tpu.memory_space<vmem>>
    %dma_start3A_284 = tpu.memref_squeeze %dma_start3A_283 : memref<1x40064xf32, #tpu.memory_space<vmem>> -> memref<40064xf32, #tpu.memory_space<vmem>>
    tpu.enqueue_dma source(%dma_start3A_284 : memref<40064xf32, #tpu.memory_space<vmem>>) target(%dma_start3A_281 : memref<40064xf32, #tpu.memory_space<any>>) target_semaphore(%arg3 : memref<!tpu.dma_semaphore, #tpu.memory_space<semaphore_mem>>)
    %dma_start3A_285 = arith.constant 47 : i32
    %dma_start3A_286 = arith.constant 1883008 : i32
    %dma_start3A_287 = tpu.memref_slice %arg1[%dma_start3A_286] : memref<2564096xf32, #tpu.memory_space<any>> -> memref<40064xf32, #tpu.memory_space<any>>
    %dma_start3A_288 = arith.constant 0 : i32
    %dma_start3A_289 = tpu.memref_slice %arg2[%dma_start3A_285, %dma_start3A_288] : memref<64x40064xf32, #tpu.memory_space<vmem>> -> memref<1x40064xf32, #tpu.memory_space<vmem>>
    %dma_start3A_290 = tpu.memref_squeeze %dma_start3A_289 : memref<1x40064xf32, #tpu.memory_space<vmem>> -> memref<40064xf32, #tpu.memory_space<vmem>>
    tpu.enqueue_dma source(%dma_start3A_290 : memref<40064xf32, #tpu.memory_space<vmem>>) target(%dma_start3A_287 : memref<40064xf32, #tpu.memory_space<any>>) target_semaphore(%arg3 : memref<!tpu.dma_semaphore, #tpu.memory_space<semaphore_mem>>)
    %dma_start3A_291 = arith.constant 48 : i32
    %dma_start3A_292 = arith.constant 1923072 : i32
    %dma_start3A_293 = tpu.memref_slice %arg1[%dma_start3A_292] : memref<2564096xf32, #tpu.memory_space<any>> -> memref<40064xf32, #tpu.memory_space<any>>
    %dma_start3A_294 = arith.constant 0 : i32
    %dma_start3A_295 = tpu.memref_slice %arg2[%dma_start3A_291, %dma_start3A_294] : memref<64x40064xf32, #tpu.memory_space<vmem>> -> memref<1x40064xf32, #tpu.memory_space<vmem>>
    %dma_start3A_296 = tpu.memref_squeeze %dma_start3A_295 : memref<1x40064xf32, #tpu.memory_space<vmem>> -> memref<40064xf32, #tpu.memory_space<vmem>>
    tpu.enqueue_dma source(%dma_start3A_296 : memref<40064xf32, #tpu.memory_space<vmem>>) target(%dma_start3A_293 : memref<40064xf32, #tpu.memory_space<any>>) target_semaphore(%arg3 : memref<!tpu.dma_semaphore, #tpu.memory_space<semaphore_mem>>)
    %dma_start3A_297 = arith.constant 49 : i32
    %dma_start3A_298 = arith.constant 1963136 : i32
    %dma_start3A_299 = tpu.memref_slice %arg1[%dma_start3A_298] : memref<2564096xf32, #tpu.memory_space<any>> -> memref<40064xf32, #tpu.memory_space<any>>
    %dma_start3A_300 = arith.constant 0 : i32
    %dma_start3A_301 = tpu.memref_slice %arg2[%dma_start3A_297, %dma_start3A_300] : memref<64x40064xf32, #tpu.memory_space<vmem>> -> memref<1x40064xf32, #tpu.memory_space<vmem>>
    %dma_start3A_302 = tpu.memref_squeeze %dma_start3A_301 : memref<1x40064xf32, #tpu.memory_space<vmem>> -> memref<40064xf32, #tpu.memory_space<vmem>>
    tpu.enqueue_dma source(%dma_start3A_302 : memref<40064xf32, #tpu.memory_space<vmem>>) target(%dma_start3A_299 : memref<40064xf32, #tpu.memory_space<any>>) target_semaphore(%arg3 : memref<!tpu.dma_semaphore, #tpu.memory_space<semaphore_mem>>)
    %dma_start3A_303 = arith.constant 50 : i32
    %dma_start3A_304 = arith.constant 2003200 : i32
    %dma_start3A_305 = tpu.memref_slice %arg1[%dma_start3A_304] : memref<2564096xf32, #tpu.memory_space<any>> -> memref<40064xf32, #tpu.memory_space<any>>
    %dma_start3A_306 = arith.constant 0 : i32
    %dma_start3A_307 = tpu.memref_slice %arg2[%dma_start3A_303, %dma_start3A_306] : memref<64x40064xf32, #tpu.memory_space<vmem>> -> memref<1x40064xf32, #tpu.memory_space<vmem>>
    %dma_start3A_308 = tpu.memref_squeeze %dma_start3A_307 : memref<1x40064xf32, #tpu.memory_space<vmem>> -> memref<40064xf32, #tpu.memory_space<vmem>>
    tpu.enqueue_dma source(%dma_start3A_308 : memref<40064xf32, #tpu.memory_space<vmem>>) target(%dma_start3A_305 : memref<40064xf32, #tpu.memory_space<any>>) target_semaphore(%arg3 : memref<!tpu.dma_semaphore, #tpu.memory_space<semaphore_mem>>)
    %dma_start3A_309 = arith.constant 51 : i32
    %dma_start3A_310 = arith.constant 2043264 : i32
    %dma_start3A_311 = tpu.memref_slice %arg1[%dma_start3A_310] : memref<2564096xf32, #tpu.memory_space<any>> -> memref<40064xf32, #tpu.memory_space<any>>
    %dma_start3A_312 = arith.constant 0 : i32
    %dma_start3A_313 = tpu.memref_slice %arg2[%dma_start3A_309, %dma_start3A_312] : memref<64x40064xf32, #tpu.memory_space<vmem>> -> memref<1x40064xf32, #tpu.memory_space<vmem>>
    %dma_start3A_314 = tpu.memref_squeeze %dma_start3A_313 : memref<1x40064xf32, #tpu.memory_space<vmem>> -> memref<40064xf32, #tpu.memory_space<vmem>>
    tpu.enqueue_dma source(%dma_start3A_314 : memref<40064xf32, #tpu.memory_space<vmem>>) target(%dma_start3A_311 : memref<40064xf32, #tpu.memory_space<any>>) target_semaphore(%arg3 : memref<!tpu.dma_semaphore, #tpu.memory_space<semaphore_mem>>)
    %dma_start3A_315 = arith.constant 52 : i32
    %dma_start3A_316 = arith.constant 2083328 : i32
    %dma_start3A_317 = tpu.memref_slice %arg1[%dma_start3A_316] : memref<2564096xf32, #tpu.memory_space<any>> -> memref<40064xf32, #tpu.memory_space<any>>
    %dma_start3A_318 = arith.constant 0 : i32
    %dma_start3A_319 = tpu.memref_slice %arg2[%dma_start3A_315, %dma_start3A_318] : memref<64x40064xf32, #tpu.memory_space<vmem>> -> memref<1x40064xf32, #tpu.memory_space<vmem>>
    %dma_start3A_320 = tpu.memref_squeeze %dma_start3A_319 : memref<1x40064xf32, #tpu.memory_space<vmem>> -> memref<40064xf32, #tpu.memory_space<vmem>>
    tpu.enqueue_dma source(%dma_start3A_320 : memref<40064xf32, #tpu.memory_space<vmem>>) target(%dma_start3A_317 : memref<40064xf32, #tpu.memory_space<any>>) target_semaphore(%arg3 : memref<!tpu.dma_semaphore, #tpu.memory_space<semaphore_mem>>)
    %dma_start3A_321 = arith.constant 53 : i32
    %dma_start3A_322 = arith.constant 2123392 : i32
    %dma_start3A_323 = tpu.memref_slice %arg1[%dma_start3A_322] : memref<2564096xf32, #tpu.memory_space<any>> -> memref<40064xf32, #tpu.memory_space<any>>
    %dma_start3A_324 = arith.constant 0 : i32
    %dma_start3A_325 = tpu.memref_slice %arg2[%dma_start3A_321, %dma_start3A_324] : memref<64x40064xf32, #tpu.memory_space<vmem>> -> memref<1x40064xf32, #tpu.memory_space<vmem>>
    %dma_start3A_326 = tpu.memref_squeeze %dma_start3A_325 : memref<1x40064xf32, #tpu.memory_space<vmem>> -> memref<40064xf32, #tpu.memory_space<vmem>>
    tpu.enqueue_dma source(%dma_start3A_326 : memref<40064xf32, #tpu.memory_space<vmem>>) target(%dma_start3A_323 : memref<40064xf32, #tpu.memory_space<any>>) target_semaphore(%arg3 : memref<!tpu.dma_semaphore, #tpu.memory_space<semaphore_mem>>)
    %dma_start3A_327 = arith.constant 54 : i32
    %dma_start3A_328 = arith.constant 2163456 : i32
    %dma_start3A_329 = tpu.memref_slice %arg1[%dma_start3A_328] : memref<2564096xf32, #tpu.memory_space<any>> -> memref<40064xf32, #tpu.memory_space<any>>
    %dma_start3A_330 = arith.constant 0 : i32
    %dma_start3A_331 = tpu.memref_slice %arg2[%dma_start3A_327, %dma_start3A_330] : memref<64x40064xf32, #tpu.memory_space<vmem>> -> memref<1x40064xf32, #tpu.memory_space<vmem>>
    %dma_start3A_332 = tpu.memref_squeeze %dma_start3A_331 : memref<1x40064xf32, #tpu.memory_space<vmem>> -> memref<40064xf32, #tpu.memory_space<vmem>>
    tpu.enqueue_dma source(%dma_start3A_332 : memref<40064xf32, #tpu.memory_space<vmem>>) target(%dma_start3A_329 : memref<40064xf32, #tpu.memory_space<any>>) target_semaphore(%arg3 : memref<!tpu.dma_semaphore, #tpu.memory_space<semaphore_mem>>)
    %dma_start3A_333 = arith.constant 55 : i32
    %dma_start3A_334 = arith.constant 2203520 : i32
    %dma_start3A_335 = tpu.memref_slice %arg1[%dma_start3A_334] : memref<2564096xf32, #tpu.memory_space<any>> -> memref<40064xf32, #tpu.memory_space<any>>
    %dma_start3A_336 = arith.constant 0 : i32
    %dma_start3A_337 = tpu.memref_slice %arg2[%dma_start3A_333, %dma_start3A_336] : memref<64x40064xf32, #tpu.memory_space<vmem>> -> memref<1x40064xf32, #tpu.memory_space<vmem>>
    %dma_start3A_338 = tpu.memref_squeeze %dma_start3A_337 : memref<1x40064xf32, #tpu.memory_space<vmem>> -> memref<40064xf32, #tpu.memory_space<vmem>>
    tpu.enqueue_dma source(%dma_start3A_338 : memref<40064xf32, #tpu.memory_space<vmem>>) target(%dma_start3A_335 : memref<40064xf32, #tpu.memory_space<any>>) target_semaphore(%arg3 : memref<!tpu.dma_semaphore, #tpu.memory_space<semaphore_mem>>)
    %dma_start3A_339 = arith.constant 56 : i32
    %dma_start3A_340 = arith.constant 2243584 : i32
    %dma_start3A_341 = tpu.memref_slice %arg1[%dma_start3A_340] : memref<2564096xf32, #tpu.memory_space<any>> -> memref<40064xf32, #tpu.memory_space<any>>
    %dma_start3A_342 = arith.constant 0 : i32
    %dma_start3A_343 = tpu.memref_slice %arg2[%dma_start3A_339, %dma_start3A_342] : memref<64x40064xf32, #tpu.memory_space<vmem>> -> memref<1x40064xf32, #tpu.memory_space<vmem>>
    %dma_start3A_344 = tpu.memref_squeeze %dma_start3A_343 : memref<1x40064xf32, #tpu.memory_space<vmem>> -> memref<40064xf32, #tpu.memory_space<vmem>>
    tpu.enqueue_dma source(%dma_start3A_344 : memref<40064xf32, #tpu.memory_space<vmem>>) target(%dma_start3A_341 : memref<40064xf32, #tpu.memory_space<any>>) target_semaphore(%arg3 : memref<!tpu.dma_semaphore, #tpu.memory_space<semaphore_mem>>)
    %dma_start3A_345 = arith.constant 57 : i32
    %dma_start3A_346 = arith.constant 2283648 : i32
    %dma_start3A_347 = tpu.memref_slice %arg1[%dma_start3A_346] : memref<2564096xf32, #tpu.memory_space<any>> -> memref<40064xf32, #tpu.memory_space<any>>
    %dma_start3A_348 = arith.constant 0 : i32
    %dma_start3A_349 = tpu.memref_slice %arg2[%dma_start3A_345, %dma_start3A_348] : memref<64x40064xf32, #tpu.memory_space<vmem>> -> memref<1x40064xf32, #tpu.memory_space<vmem>>
    %dma_start3A_350 = tpu.memref_squeeze %dma_start3A_349 : memref<1x40064xf32, #tpu.memory_space<vmem>> -> memref<40064xf32, #tpu.memory_space<vmem>>
    tpu.enqueue_dma source(%dma_start3A_350 : memref<40064xf32, #tpu.memory_space<vmem>>) target(%dma_start3A_347 : memref<40064xf32, #tpu.memory_space<any>>) target_semaphore(%arg3 : memref<!tpu.dma_semaphore, #tpu.memory_space<semaphore_mem>>)
    %dma_start3A_351 = arith.constant 58 : i32
    %dma_start3A_352 = arith.constant 2323712 : i32
    %dma_start3A_353 = tpu.memref_slice %arg1[%dma_start3A_352] : memref<2564096xf32, #tpu.memory_space<any>> -> memref<40064xf32, #tpu.memory_space<any>>
    %dma_start3A_354 = arith.constant 0 : i32
    %dma_start3A_355 = tpu.memref_slice %arg2[%dma_start3A_351, %dma_start3A_354] : memref<64x40064xf32, #tpu.memory_space<vmem>> -> memref<1x40064xf32, #tpu.memory_space<vmem>>
    %dma_start3A_356 = tpu.memref_squeeze %dma_start3A_355 : memref<1x40064xf32, #tpu.memory_space<vmem>> -> memref<40064xf32, #tpu.memory_space<vmem>>
    tpu.enqueue_dma source(%dma_start3A_356 : memref<40064xf32, #tpu.memory_space<vmem>>) target(%dma_start3A_353 : memref<40064xf32, #tpu.memory_space<any>>) target_semaphore(%arg3 : memref<!tpu.dma_semaphore, #tpu.memory_space<semaphore_mem>>)
    %dma_start3A_357 = arith.constant 59 : i32
    %dma_start3A_358 = arith.constant 2363776 : i32
    %dma_start3A_359 = tpu.memref_slice %arg1[%dma_start3A_358] : memref<2564096xf32, #tpu.memory_space<any>> -> memref<40064xf32, #tpu.memory_space<any>>
    %dma_start3A_360 = arith.constant 0 : i32
    %dma_start3A_361 = tpu.memref_slice %arg2[%dma_start3A_357, %dma_start3A_360] : memref<64x40064xf32, #tpu.memory_space<vmem>> -> memref<1x40064xf32, #tpu.memory_space<vmem>>
    %dma_start3A_362 = tpu.memref_squeeze %dma_start3A_361 : memref<1x40064xf32, #tpu.memory_space<vmem>> -> memref<40064xf32, #tpu.memory_space<vmem>>
    tpu.enqueue_dma source(%dma_start3A_362 : memref<40064xf32, #tpu.memory_space<vmem>>) target(%dma_start3A_359 : memref<40064xf32, #tpu.memory_space<any>>) target_semaphore(%arg3 : memref<!tpu.dma_semaphore, #tpu.memory_space<semaphore_mem>>)
    %dma_start3A_363 = arith.constant 60 : i32
    %dma_start3A_364 = arith.constant 2403840 : i32
    %dma_start3A_365 = tpu.memref_slice %arg1[%dma_start3A_364] : memref<2564096xf32, #tpu.memory_space<any>> -> memref<40064xf32, #tpu.memory_space<any>>
    %dma_start3A_366 = arith.constant 0 : i32
    %dma_start3A_367 = tpu.memref_slice %arg2[%dma_start3A_363, %dma_start3A_366] : memref<64x40064xf32, #tpu.memory_space<vmem>> -> memref<1x40064xf32, #tpu.memory_space<vmem>>
    %dma_start3A_368 = tpu.memref_squeeze %dma_start3A_367 : memref<1x40064xf32, #tpu.memory_space<vmem>> -> memref<40064xf32, #tpu.memory_space<vmem>>
    tpu.enqueue_dma source(%dma_start3A_368 : memref<40064xf32, #tpu.memory_space<vmem>>) target(%dma_start3A_365 : memref<40064xf32, #tpu.memory_space<any>>) target_semaphore(%arg3 : memref<!tpu.dma_semaphore, #tpu.memory_space<semaphore_mem>>)
    %dma_start3A_369 = arith.constant 61 : i32
    %dma_start3A_370 = arith.constant 2443904 : i32
    %dma_start3A_371 = tpu.memref_slice %arg1[%dma_start3A_370] : memref<2564096xf32, #tpu.memory_space<any>> -> memref<40064xf32, #tpu.memory_space<any>>
    %dma_start3A_372 = arith.constant 0 : i32
    %dma_start3A_373 = tpu.memref_slice %arg2[%dma_start3A_369, %dma_start3A_372] : memref<64x40064xf32, #tpu.memory_space<vmem>> -> memref<1x40064xf32, #tpu.memory_space<vmem>>
    %dma_start3A_374 = tpu.memref_squeeze %dma_start3A_373 : memref<1x40064xf32, #tpu.memory_space<vmem>> -> memref<40064xf32, #tpu.memory_space<vmem>>
    tpu.enqueue_dma source(%dma_start3A_374 : memref<40064xf32, #tpu.memory_space<vmem>>) target(%dma_start3A_371 : memref<40064xf32, #tpu.memory_space<any>>) target_semaphore(%arg3 : memref<!tpu.dma_semaphore, #tpu.memory_space<semaphore_mem>>)
    %dma_start3A_375 = arith.constant 62 : i32
    %dma_start3A_376 = arith.constant 2483968 : i32
    %dma_start3A_377 = tpu.memref_slice %arg1[%dma_start3A_376] : memref<2564096xf32, #tpu.memory_space<any>> -> memref<40064xf32, #tpu.memory_space<any>>
    %dma_start3A_378 = arith.constant 0 : i32
    %dma_start3A_379 = tpu.memref_slice %arg2[%dma_start3A_375, %dma_start3A_378] : memref<64x40064xf32, #tpu.memory_space<vmem>> -> memref<1x40064xf32, #tpu.memory_space<vmem>>
    %dma_start3A_380 = tpu.memref_squeeze %dma_start3A_379 : memref<1x40064xf32, #tpu.memory_space<vmem>> -> memref<40064xf32, #tpu.memory_space<vmem>>
    tpu.enqueue_dma source(%dma_start3A_380 : memref<40064xf32, #tpu.memory_space<vmem>>) target(%dma_start3A_377 : memref<40064xf32, #tpu.memory_space<any>>) target_semaphore(%arg3 : memref<!tpu.dma_semaphore, #tpu.memory_space<semaphore_mem>>)
    %dma_start3A_381 = arith.constant 63 : i32
    %dma_start3A_382 = arith.constant 2524032 : i32
    %dma_start3A_383 = tpu.memref_slice %arg1[%dma_start3A_382] : memref<2564096xf32, #tpu.memory_space<any>> -> memref<40064xf32, #tpu.memory_space<any>>
    %dma_start3A_384 = arith.constant 0 : i32
    %dma_start3A_385 = tpu.memref_slice %arg2[%dma_start3A_381, %dma_start3A_384] : memref<64x40064xf32, #tpu.memory_space<vmem>> -> memref<1x40064xf32, #tpu.memory_space<vmem>>
    %dma_start3A_386 = tpu.memref_squeeze %dma_start3A_385 : memref<1x40064xf32, #tpu.memory_space<vmem>> -> memref<40064xf32, #tpu.memory_space<vmem>>
    tpu.enqueue_dma source(%dma_start3A_386 : memref<40064xf32, #tpu.memory_space<vmem>>) target(%dma_start3A_383 : memref<40064xf32, #tpu.memory_space<any>>) target_semaphore(%arg3 : memref<!tpu.dma_semaphore, #tpu.memory_space<semaphore_mem>>)
    %dma_wait3A = arith.constant 0 : i32
    %dma_wait3A_387 = arith.constant 0 : i32
    %dma_wait3A_388 = tpu.memref_slice %arg1[%dma_wait3A_387] : memref<2564096xf32, #tpu.memory_space<any>> -> memref<40064xf32, #tpu.memory_space<any>>
    %dma_wait3A_389 = arith.constant 0 : i32
    %dma_wait3A_390 = tpu.memref_slice %arg2[%dma_wait3A, %dma_wait3A_389] : memref<64x40064xf32, #tpu.memory_space<vmem>> -> memref<1x40064xf32, #tpu.memory_space<vmem>>
    %dma_wait3A_391 = tpu.memref_squeeze %dma_wait3A_390 : memref<1x40064xf32, #tpu.memory_space<vmem>> -> memref<40064xf32, #tpu.memory_space<vmem>>
    tpu.wait_dma2 semaphore(%arg3 : memref<!tpu.dma_semaphore, #tpu.memory_space<semaphore_mem>>) src(%dma_wait3A_391 : memref<40064xf32, #tpu.memory_space<vmem>>) dst(%dma_wait3A_388 : memref<40064xf32, #tpu.memory_space<any>>)
    %dma_wait3A_392 = arith.constant 1 : i32
    %dma_wait3A_393 = arith.constant 40064 : i32
    %dma_wait3A_394 = tpu.memref_slice %arg1[%dma_wait3A_393] : memref<2564096xf32, #tpu.memory_space<any>> -> memref<40064xf32, #tpu.memory_space<any>>
    %dma_wait3A_395 = arith.constant 0 : i32
    %dma_wait3A_396 = tpu.memref_slice %arg2[%dma_wait3A_392, %dma_wait3A_395] : memref<64x40064xf32, #tpu.memory_space<vmem>> -> memref<1x40064xf32, #tpu.memory_space<vmem>>
    %dma_wait3A_397 = tpu.memref_squeeze %dma_wait3A_396 : memref<1x40064xf32, #tpu.memory_space<vmem>> -> memref<40064xf32, #tpu.memory_space<vmem>>
    tpu.wait_dma2 semaphore(%arg3 : memref<!tpu.dma_semaphore, #tpu.memory_space<semaphore_mem>>) src(%dma_wait3A_397 : memref<40064xf32, #tpu.memory_space<vmem>>) dst(%dma_wait3A_394 : memref<40064xf32, #tpu.memory_space<any>>)
    %dma_wait3A_398 = arith.constant 2 : i32
    %dma_wait3A_399 = arith.constant 80128 : i32
    %dma_wait3A_400 = tpu.memref_slice %arg1[%dma_wait3A_399] : memref<2564096xf32, #tpu.memory_space<any>> -> memref<40064xf32, #tpu.memory_space<any>>
    %dma_wait3A_401 = arith.constant 0 : i32
    %dma_wait3A_402 = tpu.memref_slice %arg2[%dma_wait3A_398, %dma_wait3A_401] : memref<64x40064xf32, #tpu.memory_space<vmem>> -> memref<1x40064xf32, #tpu.memory_space<vmem>>
    %dma_wait3A_403 = tpu.memref_squeeze %dma_wait3A_402 : memref<1x40064xf32, #tpu.memory_space<vmem>> -> memref<40064xf32, #tpu.memory_space<vmem>>
    tpu.wait_dma2 semaphore(%arg3 : memref<!tpu.dma_semaphore, #tpu.memory_space<semaphore_mem>>) src(%dma_wait3A_403 : memref<40064xf32, #tpu.memory_space<vmem>>) dst(%dma_wait3A_400 : memref<40064xf32, #tpu.memory_space<any>>)
    %dma_wait3A_404 = arith.constant 3 : i32
    %dma_wait3A_405 = arith.constant 120192 : i32
    %dma_wait3A_406 = tpu.memref_slice %arg1[%dma_wait3A_405] : memref<2564096xf32, #tpu.memory_space<any>> -> memref<40064xf32, #tpu.memory_space<any>>
    %dma_wait3A_407 = arith.constant 0 : i32
    %dma_wait3A_408 = tpu.memref_slice %arg2[%dma_wait3A_404, %dma_wait3A_407] : memref<64x40064xf32, #tpu.memory_space<vmem>> -> memref<1x40064xf32, #tpu.memory_space<vmem>>
    %dma_wait3A_409 = tpu.memref_squeeze %dma_wait3A_408 : memref<1x40064xf32, #tpu.memory_space<vmem>> -> memref<40064xf32, #tpu.memory_space<vmem>>
    tpu.wait_dma2 semaphore(%arg3 : memref<!tpu.dma_semaphore, #tpu.memory_space<semaphore_mem>>) src(%dma_wait3A_409 : memref<40064xf32, #tpu.memory_space<vmem>>) dst(%dma_wait3A_406 : memref<40064xf32, #tpu.memory_space<any>>)
    %dma_wait3A_410 = arith.constant 4 : i32
    %dma_wait3A_411 = arith.constant 160256 : i32
    %dma_wait3A_412 = tpu.memref_slice %arg1[%dma_wait3A_411] : memref<2564096xf32, #tpu.memory_space<any>> -> memref<40064xf32, #tpu.memory_space<any>>
    %dma_wait3A_413 = arith.constant 0 : i32
    %dma_wait3A_414 = tpu.memref_slice %arg2[%dma_wait3A_410, %dma_wait3A_413] : memref<64x40064xf32, #tpu.memory_space<vmem>> -> memref<1x40064xf32, #tpu.memory_space<vmem>>
    %dma_wait3A_415 = tpu.memref_squeeze %dma_wait3A_414 : memref<1x40064xf32, #tpu.memory_space<vmem>> -> memref<40064xf32, #tpu.memory_space<vmem>>
    tpu.wait_dma2 semaphore(%arg3 : memref<!tpu.dma_semaphore, #tpu.memory_space<semaphore_mem>>) src(%dma_wait3A_415 : memref<40064xf32, #tpu.memory_space<vmem>>) dst(%dma_wait3A_412 : memref<40064xf32, #tpu.memory_space<any>>)
    %dma_wait3A_416 = arith.constant 5 : i32
    %dma_wait3A_417 = arith.constant 200320 : i32
    %dma_wait3A_418 = tpu.memref_slice %arg1[%dma_wait3A_417] : memref<2564096xf32, #tpu.memory_space<any>> -> memref<40064xf32, #tpu.memory_space<any>>
    %dma_wait3A_419 = arith.constant 0 : i32
    %dma_wait3A_420 = tpu.memref_slice %arg2[%dma_wait3A_416, %dma_wait3A_419] : memref<64x40064xf32, #tpu.memory_space<vmem>> -> memref<1x40064xf32, #tpu.memory_space<vmem>>
    %dma_wait3A_421 = tpu.memref_squeeze %dma_wait3A_420 : memref<1x40064xf32, #tpu.memory_space<vmem>> -> memref<40064xf32, #tpu.memory_space<vmem>>
    tpu.wait_dma2 semaphore(%arg3 : memref<!tpu.dma_semaphore, #tpu.memory_space<semaphore_mem>>) src(%dma_wait3A_421 : memref<40064xf32, #tpu.memory_space<vmem>>) dst(%dma_wait3A_418 : memref<40064xf32, #tpu.memory_space<any>>)
    %dma_wait3A_422 = arith.constant 6 : i32
    %dma_wait3A_423 = arith.constant 240384 : i32
    %dma_wait3A_424 = tpu.memref_slice %arg1[%dma_wait3A_423] : memref<2564096xf32, #tpu.memory_space<any>> -> memref<40064xf32, #tpu.memory_space<any>>
    %dma_wait3A_425 = arith.constant 0 : i32
    %dma_wait3A_426 = tpu.memref_slice %arg2[%dma_wait3A_422, %dma_wait3A_425] : memref<64x40064xf32, #tpu.memory_space<vmem>> -> memref<1x40064xf32, #tpu.memory_space<vmem>>
    %dma_wait3A_427 = tpu.memref_squeeze %dma_wait3A_426 : memref<1x40064xf32, #tpu.memory_space<vmem>> -> memref<40064xf32, #tpu.memory_space<vmem>>
    tpu.wait_dma2 semaphore(%arg3 : memref<!tpu.dma_semaphore, #tpu.memory_space<semaphore_mem>>) src(%dma_wait3A_427 : memref<40064xf32, #tpu.memory_space<vmem>>) dst(%dma_wait3A_424 : memref<40064xf32, #tpu.memory_space<any>>)
    %dma_wait3A_428 = arith.constant 7 : i32
    %dma_wait3A_429 = arith.constant 280448 : i32
    %dma_wait3A_430 = tpu.memref_slice %arg1[%dma_wait3A_429] : memref<2564096xf32, #tpu.memory_space<any>> -> memref<40064xf32, #tpu.memory_space<any>>
    %dma_wait3A_431 = arith.constant 0 : i32
    %dma_wait3A_432 = tpu.memref_slice %arg2[%dma_wait3A_428, %dma_wait3A_431] : memref<64x40064xf32, #tpu.memory_space<vmem>> -> memref<1x40064xf32, #tpu.memory_space<vmem>>
    %dma_wait3A_433 = tpu.memref_squeeze %dma_wait3A_432 : memref<1x40064xf32, #tpu.memory_space<vmem>> -> memref<40064xf32, #tpu.memory_space<vmem>>
    tpu.wait_dma2 semaphore(%arg3 : memref<!tpu.dma_semaphore, #tpu.memory_space<semaphore_mem>>) src(%dma_wait3A_433 : memref<40064xf32, #tpu.memory_space<vmem>>) dst(%dma_wait3A_430 : memref<40064xf32, #tpu.memory_space<any>>)
    %dma_wait3A_434 = arith.constant 8 : i32
    %dma_wait3A_435 = arith.constant 320512 : i32
    %dma_wait3A_436 = tpu.memref_slice %arg1[%dma_wait3A_435] : memref<2564096xf32, #tpu.memory_space<any>> -> memref<40064xf32, #tpu.memory_space<any>>
    %dma_wait3A_437 = arith.constant 0 : i32
    %dma_wait3A_438 = tpu.memref_slice %arg2[%dma_wait3A_434, %dma_wait3A_437] : memref<64x40064xf32, #tpu.memory_space<vmem>> -> memref<1x40064xf32, #tpu.memory_space<vmem>>
    %dma_wait3A_439 = tpu.memref_squeeze %dma_wait3A_438 : memref<1x40064xf32, #tpu.memory_space<vmem>> -> memref<40064xf32, #tpu.memory_space<vmem>>
    tpu.wait_dma2 semaphore(%arg3 : memref<!tpu.dma_semaphore, #tpu.memory_space<semaphore_mem>>) src(%dma_wait3A_439 : memref<40064xf32, #tpu.memory_space<vmem>>) dst(%dma_wait3A_436 : memref<40064xf32, #tpu.memory_space<any>>)
    %dma_wait3A_440 = arith.constant 9 : i32
    %dma_wait3A_441 = arith.constant 360576 : i32
    %dma_wait3A_442 = tpu.memref_slice %arg1[%dma_wait3A_441] : memref<2564096xf32, #tpu.memory_space<any>> -> memref<40064xf32, #tpu.memory_space<any>>
    %dma_wait3A_443 = arith.constant 0 : i32
    %dma_wait3A_444 = tpu.memref_slice %arg2[%dma_wait3A_440, %dma_wait3A_443] : memref<64x40064xf32, #tpu.memory_space<vmem>> -> memref<1x40064xf32, #tpu.memory_space<vmem>>
    %dma_wait3A_445 = tpu.memref_squeeze %dma_wait3A_444 : memref<1x40064xf32, #tpu.memory_space<vmem>> -> memref<40064xf32, #tpu.memory_space<vmem>>
    tpu.wait_dma2 semaphore(%arg3 : memref<!tpu.dma_semaphore, #tpu.memory_space<semaphore_mem>>) src(%dma_wait3A_445 : memref<40064xf32, #tpu.memory_space<vmem>>) dst(%dma_wait3A_442 : memref<40064xf32, #tpu.memory_space<any>>)
    %dma_wait3A_446 = arith.constant 10 : i32
    %dma_wait3A_447 = arith.constant 400640 : i32
    %dma_wait3A_448 = tpu.memref_slice %arg1[%dma_wait3A_447] : memref<2564096xf32, #tpu.memory_space<any>> -> memref<40064xf32, #tpu.memory_space<any>>
    %dma_wait3A_449 = arith.constant 0 : i32
    %dma_wait3A_450 = tpu.memref_slice %arg2[%dma_wait3A_446, %dma_wait3A_449] : memref<64x40064xf32, #tpu.memory_space<vmem>> -> memref<1x40064xf32, #tpu.memory_space<vmem>>
    %dma_wait3A_451 = tpu.memref_squeeze %dma_wait3A_450 : memref<1x40064xf32, #tpu.memory_space<vmem>> -> memref<40064xf32, #tpu.memory_space<vmem>>
    tpu.wait_dma2 semaphore(%arg3 : memref<!tpu.dma_semaphore, #tpu.memory_space<semaphore_mem>>) src(%dma_wait3A_451 : memref<40064xf32, #tpu.memory_space<vmem>>) dst(%dma_wait3A_448 : memref<40064xf32, #tpu.memory_space<any>>)
    %dma_wait3A_452 = arith.constant 11 : i32
    %dma_wait3A_453 = arith.constant 440704 : i32
    %dma_wait3A_454 = tpu.memref_slice %arg1[%dma_wait3A_453] : memref<2564096xf32, #tpu.memory_space<any>> -> memref<40064xf32, #tpu.memory_space<any>>
    %dma_wait3A_455 = arith.constant 0 : i32
    %dma_wait3A_456 = tpu.memref_slice %arg2[%dma_wait3A_452, %dma_wait3A_455] : memref<64x40064xf32, #tpu.memory_space<vmem>> -> memref<1x40064xf32, #tpu.memory_space<vmem>>
    %dma_wait3A_457 = tpu.memref_squeeze %dma_wait3A_456 : memref<1x40064xf32, #tpu.memory_space<vmem>> -> memref<40064xf32, #tpu.memory_space<vmem>>
    tpu.wait_dma2 semaphore(%arg3 : memref<!tpu.dma_semaphore, #tpu.memory_space<semaphore_mem>>) src(%dma_wait3A_457 : memref<40064xf32, #tpu.memory_space<vmem>>) dst(%dma_wait3A_454 : memref<40064xf32, #tpu.memory_space<any>>)
    %dma_wait3A_458 = arith.constant 12 : i32
    %dma_wait3A_459 = arith.constant 480768 : i32
    %dma_wait3A_460 = tpu.memref_slice %arg1[%dma_wait3A_459] : memref<2564096xf32, #tpu.memory_space<any>> -> memref<40064xf32, #tpu.memory_space<any>>
    %dma_wait3A_461 = arith.constant 0 : i32
    %dma_wait3A_462 = tpu.memref_slice %arg2[%dma_wait3A_458, %dma_wait3A_461] : memref<64x40064xf32, #tpu.memory_space<vmem>> -> memref<1x40064xf32, #tpu.memory_space<vmem>>
    %dma_wait3A_463 = tpu.memref_squeeze %dma_wait3A_462 : memref<1x40064xf32, #tpu.memory_space<vmem>> -> memref<40064xf32, #tpu.memory_space<vmem>>
    tpu.wait_dma2 semaphore(%arg3 : memref<!tpu.dma_semaphore, #tpu.memory_space<semaphore_mem>>) src(%dma_wait3A_463 : memref<40064xf32, #tpu.memory_space<vmem>>) dst(%dma_wait3A_460 : memref<40064xf32, #tpu.memory_space<any>>)
    %dma_wait3A_464 = arith.constant 13 : i32
    %dma_wait3A_465 = arith.constant 520832 : i32
    %dma_wait3A_466 = tpu.memref_slice %arg1[%dma_wait3A_465] : memref<2564096xf32, #tpu.memory_space<any>> -> memref<40064xf32, #tpu.memory_space<any>>
    %dma_wait3A_467 = arith.constant 0 : i32
    %dma_wait3A_468 = tpu.memref_slice %arg2[%dma_wait3A_464, %dma_wait3A_467] : memref<64x40064xf32, #tpu.memory_space<vmem>> -> memref<1x40064xf32, #tpu.memory_space<vmem>>
    %dma_wait3A_469 = tpu.memref_squeeze %dma_wait3A_468 : memref<1x40064xf32, #tpu.memory_space<vmem>> -> memref<40064xf32, #tpu.memory_space<vmem>>
    tpu.wait_dma2 semaphore(%arg3 : memref<!tpu.dma_semaphore, #tpu.memory_space<semaphore_mem>>) src(%dma_wait3A_469 : memref<40064xf32, #tpu.memory_space<vmem>>) dst(%dma_wait3A_466 : memref<40064xf32, #tpu.memory_space<any>>)
    %dma_wait3A_470 = arith.constant 14 : i32
    %dma_wait3A_471 = arith.constant 560896 : i32
    %dma_wait3A_472 = tpu.memref_slice %arg1[%dma_wait3A_471] : memref<2564096xf32, #tpu.memory_space<any>> -> memref<40064xf32, #tpu.memory_space<any>>
    %dma_wait3A_473 = arith.constant 0 : i32
    %dma_wait3A_474 = tpu.memref_slice %arg2[%dma_wait3A_470, %dma_wait3A_473] : memref<64x40064xf32, #tpu.memory_space<vmem>> -> memref<1x40064xf32, #tpu.memory_space<vmem>>
    %dma_wait3A_475 = tpu.memref_squeeze %dma_wait3A_474 : memref<1x40064xf32, #tpu.memory_space<vmem>> -> memref<40064xf32, #tpu.memory_space<vmem>>
    tpu.wait_dma2 semaphore(%arg3 : memref<!tpu.dma_semaphore, #tpu.memory_space<semaphore_mem>>) src(%dma_wait3A_475 : memref<40064xf32, #tpu.memory_space<vmem>>) dst(%dma_wait3A_472 : memref<40064xf32, #tpu.memory_space<any>>)
    %dma_wait3A_476 = arith.constant 15 : i32
    %dma_wait3A_477 = arith.constant 600960 : i32
    %dma_wait3A_478 = tpu.memref_slice %arg1[%dma_wait3A_477] : memref<2564096xf32, #tpu.memory_space<any>> -> memref<40064xf32, #tpu.memory_space<any>>
    %dma_wait3A_479 = arith.constant 0 : i32
    %dma_wait3A_480 = tpu.memref_slice %arg2[%dma_wait3A_476, %dma_wait3A_479] : memref<64x40064xf32, #tpu.memory_space<vmem>> -> memref<1x40064xf32, #tpu.memory_space<vmem>>
    %dma_wait3A_481 = tpu.memref_squeeze %dma_wait3A_480 : memref<1x40064xf32, #tpu.memory_space<vmem>> -> memref<40064xf32, #tpu.memory_space<vmem>>
    tpu.wait_dma2 semaphore(%arg3 : memref<!tpu.dma_semaphore, #tpu.memory_space<semaphore_mem>>) src(%dma_wait3A_481 : memref<40064xf32, #tpu.memory_space<vmem>>) dst(%dma_wait3A_478 : memref<40064xf32, #tpu.memory_space<any>>)
    %dma_wait3A_482 = arith.constant 16 : i32
    %dma_wait3A_483 = arith.constant 641024 : i32
    %dma_wait3A_484 = tpu.memref_slice %arg1[%dma_wait3A_483] : memref<2564096xf32, #tpu.memory_space<any>> -> memref<40064xf32, #tpu.memory_space<any>>
    %dma_wait3A_485 = arith.constant 0 : i32
    %dma_wait3A_486 = tpu.memref_slice %arg2[%dma_wait3A_482, %dma_wait3A_485] : memref<64x40064xf32, #tpu.memory_space<vmem>> -> memref<1x40064xf32, #tpu.memory_space<vmem>>
    %dma_wait3A_487 = tpu.memref_squeeze %dma_wait3A_486 : memref<1x40064xf32, #tpu.memory_space<vmem>> -> memref<40064xf32, #tpu.memory_space<vmem>>
    tpu.wait_dma2 semaphore(%arg3 : memref<!tpu.dma_semaphore, #tpu.memory_space<semaphore_mem>>) src(%dma_wait3A_487 : memref<40064xf32, #tpu.memory_space<vmem>>) dst(%dma_wait3A_484 : memref<40064xf32, #tpu.memory_space<any>>)
    %dma_wait3A_488 = arith.constant 17 : i32
    %dma_wait3A_489 = arith.constant 681088 : i32
    %dma_wait3A_490 = tpu.memref_slice %arg1[%dma_wait3A_489] : memref<2564096xf32, #tpu.memory_space<any>> -> memref<40064xf32, #tpu.memory_space<any>>
    %dma_wait3A_491 = arith.constant 0 : i32
    %dma_wait3A_492 = tpu.memref_slice %arg2[%dma_wait3A_488, %dma_wait3A_491] : memref<64x40064xf32, #tpu.memory_space<vmem>> -> memref<1x40064xf32, #tpu.memory_space<vmem>>
    %dma_wait3A_493 = tpu.memref_squeeze %dma_wait3A_492 : memref<1x40064xf32, #tpu.memory_space<vmem>> -> memref<40064xf32, #tpu.memory_space<vmem>>
    tpu.wait_dma2 semaphore(%arg3 : memref<!tpu.dma_semaphore, #tpu.memory_space<semaphore_mem>>) src(%dma_wait3A_493 : memref<40064xf32, #tpu.memory_space<vmem>>) dst(%dma_wait3A_490 : memref<40064xf32, #tpu.memory_space<any>>)
    %dma_wait3A_494 = arith.constant 18 : i32
    %dma_wait3A_495 = arith.constant 721152 : i32
    %dma_wait3A_496 = tpu.memref_slice %arg1[%dma_wait3A_495] : memref<2564096xf32, #tpu.memory_space<any>> -> memref<40064xf32, #tpu.memory_space<any>>
    %dma_wait3A_497 = arith.constant 0 : i32
    %dma_wait3A_498 = tpu.memref_slice %arg2[%dma_wait3A_494, %dma_wait3A_497] : memref<64x40064xf32, #tpu.memory_space<vmem>> -> memref<1x40064xf32, #tpu.memory_space<vmem>>
    %dma_wait3A_499 = tpu.memref_squeeze %dma_wait3A_498 : memref<1x40064xf32, #tpu.memory_space<vmem>> -> memref<40064xf32, #tpu.memory_space<vmem>>
    tpu.wait_dma2 semaphore(%arg3 : memref<!tpu.dma_semaphore, #tpu.memory_space<semaphore_mem>>) src(%dma_wait3A_499 : memref<40064xf32, #tpu.memory_space<vmem>>) dst(%dma_wait3A_496 : memref<40064xf32, #tpu.memory_space<any>>)
    %dma_wait3A_500 = arith.constant 19 : i32
    %dma_wait3A_501 = arith.constant 761216 : i32
    %dma_wait3A_502 = tpu.memref_slice %arg1[%dma_wait3A_501] : memref<2564096xf32, #tpu.memory_space<any>> -> memref<40064xf32, #tpu.memory_space<any>>
    %dma_wait3A_503 = arith.constant 0 : i32
    %dma_wait3A_504 = tpu.memref_slice %arg2[%dma_wait3A_500, %dma_wait3A_503] : memref<64x40064xf32, #tpu.memory_space<vmem>> -> memref<1x40064xf32, #tpu.memory_space<vmem>>
    %dma_wait3A_505 = tpu.memref_squeeze %dma_wait3A_504 : memref<1x40064xf32, #tpu.memory_space<vmem>> -> memref<40064xf32, #tpu.memory_space<vmem>>
    tpu.wait_dma2 semaphore(%arg3 : memref<!tpu.dma_semaphore, #tpu.memory_space<semaphore_mem>>) src(%dma_wait3A_505 : memref<40064xf32, #tpu.memory_space<vmem>>) dst(%dma_wait3A_502 : memref<40064xf32, #tpu.memory_space<any>>)
    %dma_wait3A_506 = arith.constant 20 : i32
    %dma_wait3A_507 = arith.constant 801280 : i32
    %dma_wait3A_508 = tpu.memref_slice %arg1[%dma_wait3A_507] : memref<2564096xf32, #tpu.memory_space<any>> -> memref<40064xf32, #tpu.memory_space<any>>
    %dma_wait3A_509 = arith.constant 0 : i32
    %dma_wait3A_510 = tpu.memref_slice %arg2[%dma_wait3A_506, %dma_wait3A_509] : memref<64x40064xf32, #tpu.memory_space<vmem>> -> memref<1x40064xf32, #tpu.memory_space<vmem>>
    %dma_wait3A_511 = tpu.memref_squeeze %dma_wait3A_510 : memref<1x40064xf32, #tpu.memory_space<vmem>> -> memref<40064xf32, #tpu.memory_space<vmem>>
    tpu.wait_dma2 semaphore(%arg3 : memref<!tpu.dma_semaphore, #tpu.memory_space<semaphore_mem>>) src(%dma_wait3A_511 : memref<40064xf32, #tpu.memory_space<vmem>>) dst(%dma_wait3A_508 : memref<40064xf32, #tpu.memory_space<any>>)
    %dma_wait3A_512 = arith.constant 21 : i32
    %dma_wait3A_513 = arith.constant 841344 : i32
    %dma_wait3A_514 = tpu.memref_slice %arg1[%dma_wait3A_513] : memref<2564096xf32, #tpu.memory_space<any>> -> memref<40064xf32, #tpu.memory_space<any>>
    %dma_wait3A_515 = arith.constant 0 : i32
    %dma_wait3A_516 = tpu.memref_slice %arg2[%dma_wait3A_512, %dma_wait3A_515] : memref<64x40064xf32, #tpu.memory_space<vmem>> -> memref<1x40064xf32, #tpu.memory_space<vmem>>
    %dma_wait3A_517 = tpu.memref_squeeze %dma_wait3A_516 : memref<1x40064xf32, #tpu.memory_space<vmem>> -> memref<40064xf32, #tpu.memory_space<vmem>>
    tpu.wait_dma2 semaphore(%arg3 : memref<!tpu.dma_semaphore, #tpu.memory_space<semaphore_mem>>) src(%dma_wait3A_517 : memref<40064xf32, #tpu.memory_space<vmem>>) dst(%dma_wait3A_514 : memref<40064xf32, #tpu.memory_space<any>>)
    %dma_wait3A_518 = arith.constant 22 : i32
    %dma_wait3A_519 = arith.constant 881408 : i32
    %dma_wait3A_520 = tpu.memref_slice %arg1[%dma_wait3A_519] : memref<2564096xf32, #tpu.memory_space<any>> -> memref<40064xf32, #tpu.memory_space<any>>
    %dma_wait3A_521 = arith.constant 0 : i32
    %dma_wait3A_522 = tpu.memref_slice %arg2[%dma_wait3A_518, %dma_wait3A_521] : memref<64x40064xf32, #tpu.memory_space<vmem>> -> memref<1x40064xf32, #tpu.memory_space<vmem>>
    %dma_wait3A_523 = tpu.memref_squeeze %dma_wait3A_522 : memref<1x40064xf32, #tpu.memory_space<vmem>> -> memref<40064xf32, #tpu.memory_space<vmem>>
    tpu.wait_dma2 semaphore(%arg3 : memref<!tpu.dma_semaphore, #tpu.memory_space<semaphore_mem>>) src(%dma_wait3A_523 : memref<40064xf32, #tpu.memory_space<vmem>>) dst(%dma_wait3A_520 : memref<40064xf32, #tpu.memory_space<any>>)
    %dma_wait3A_524 = arith.constant 23 : i32
    %dma_wait3A_525 = arith.constant 921472 : i32
    %dma_wait3A_526 = tpu.memref_slice %arg1[%dma_wait3A_525] : memref<2564096xf32, #tpu.memory_space<any>> -> memref<40064xf32, #tpu.memory_space<any>>
    %dma_wait3A_527 = arith.constant 0 : i32
    %dma_wait3A_528 = tpu.memref_slice %arg2[%dma_wait3A_524, %dma_wait3A_527] : memref<64x40064xf32, #tpu.memory_space<vmem>> -> memref<1x40064xf32, #tpu.memory_space<vmem>>
    %dma_wait3A_529 = tpu.memref_squeeze %dma_wait3A_528 : memref<1x40064xf32, #tpu.memory_space<vmem>> -> memref<40064xf32, #tpu.memory_space<vmem>>
    tpu.wait_dma2 semaphore(%arg3 : memref<!tpu.dma_semaphore, #tpu.memory_space<semaphore_mem>>) src(%dma_wait3A_529 : memref<40064xf32, #tpu.memory_space<vmem>>) dst(%dma_wait3A_526 : memref<40064xf32, #tpu.memory_space<any>>)
    %dma_wait3A_530 = arith.constant 24 : i32
    %dma_wait3A_531 = arith.constant 961536 : i32
    %dma_wait3A_532 = tpu.memref_slice %arg1[%dma_wait3A_531] : memref<2564096xf32, #tpu.memory_space<any>> -> memref<40064xf32, #tpu.memory_space<any>>
    %dma_wait3A_533 = arith.constant 0 : i32
    %dma_wait3A_534 = tpu.memref_slice %arg2[%dma_wait3A_530, %dma_wait3A_533] : memref<64x40064xf32, #tpu.memory_space<vmem>> -> memref<1x40064xf32, #tpu.memory_space<vmem>>
    %dma_wait3A_535 = tpu.memref_squeeze %dma_wait3A_534 : memref<1x40064xf32, #tpu.memory_space<vmem>> -> memref<40064xf32, #tpu.memory_space<vmem>>
    tpu.wait_dma2 semaphore(%arg3 : memref<!tpu.dma_semaphore, #tpu.memory_space<semaphore_mem>>) src(%dma_wait3A_535 : memref<40064xf32, #tpu.memory_space<vmem>>) dst(%dma_wait3A_532 : memref<40064xf32, #tpu.memory_space<any>>)
    %dma_wait3A_536 = arith.constant 25 : i32
    %dma_wait3A_537 = arith.constant 1001600 : i32
    %dma_wait3A_538 = tpu.memref_slice %arg1[%dma_wait3A_537] : memref<2564096xf32, #tpu.memory_space<any>> -> memref<40064xf32, #tpu.memory_space<any>>
    %dma_wait3A_539 = arith.constant 0 : i32
    %dma_wait3A_540 = tpu.memref_slice %arg2[%dma_wait3A_536, %dma_wait3A_539] : memref<64x40064xf32, #tpu.memory_space<vmem>> -> memref<1x40064xf32, #tpu.memory_space<vmem>>
    %dma_wait3A_541 = tpu.memref_squeeze %dma_wait3A_540 : memref<1x40064xf32, #tpu.memory_space<vmem>> -> memref<40064xf32, #tpu.memory_space<vmem>>
    tpu.wait_dma2 semaphore(%arg3 : memref<!tpu.dma_semaphore, #tpu.memory_space<semaphore_mem>>) src(%dma_wait3A_541 : memref<40064xf32, #tpu.memory_space<vmem>>) dst(%dma_wait3A_538 : memref<40064xf32, #tpu.memory_space<any>>)
    %dma_wait3A_542 = arith.constant 26 : i32
    %dma_wait3A_543 = arith.constant 1041664 : i32
    %dma_wait3A_544 = tpu.memref_slice %arg1[%dma_wait3A_543] : memref<2564096xf32, #tpu.memory_space<any>> -> memref<40064xf32, #tpu.memory_space<any>>
    %dma_wait3A_545 = arith.constant 0 : i32
    %dma_wait3A_546 = tpu.memref_slice %arg2[%dma_wait3A_542, %dma_wait3A_545] : memref<64x40064xf32, #tpu.memory_space<vmem>> -> memref<1x40064xf32, #tpu.memory_space<vmem>>
    %dma_wait3A_547 = tpu.memref_squeeze %dma_wait3A_546 : memref<1x40064xf32, #tpu.memory_space<vmem>> -> memref<40064xf32, #tpu.memory_space<vmem>>
    tpu.wait_dma2 semaphore(%arg3 : memref<!tpu.dma_semaphore, #tpu.memory_space<semaphore_mem>>) src(%dma_wait3A_547 : memref<40064xf32, #tpu.memory_space<vmem>>) dst(%dma_wait3A_544 : memref<40064xf32, #tpu.memory_space<any>>)
    %dma_wait3A_548 = arith.constant 27 : i32
    %dma_wait3A_549 = arith.constant 1081728 : i32
    %dma_wait3A_550 = tpu.memref_slice %arg1[%dma_wait3A_549] : memref<2564096xf32, #tpu.memory_space<any>> -> memref<40064xf32, #tpu.memory_space<any>>
    %dma_wait3A_551 = arith.constant 0 : i32
    %dma_wait3A_552 = tpu.memref_slice %arg2[%dma_wait3A_548, %dma_wait3A_551] : memref<64x40064xf32, #tpu.memory_space<vmem>> -> memref<1x40064xf32, #tpu.memory_space<vmem>>
    %dma_wait3A_553 = tpu.memref_squeeze %dma_wait3A_552 : memref<1x40064xf32, #tpu.memory_space<vmem>> -> memref<40064xf32, #tpu.memory_space<vmem>>
    tpu.wait_dma2 semaphore(%arg3 : memref<!tpu.dma_semaphore, #tpu.memory_space<semaphore_mem>>) src(%dma_wait3A_553 : memref<40064xf32, #tpu.memory_space<vmem>>) dst(%dma_wait3A_550 : memref<40064xf32, #tpu.memory_space<any>>)
    %dma_wait3A_554 = arith.constant 28 : i32
    %dma_wait3A_555 = arith.constant 1121792 : i32
    %dma_wait3A_556 = tpu.memref_slice %arg1[%dma_wait3A_555] : memref<2564096xf32, #tpu.memory_space<any>> -> memref<40064xf32, #tpu.memory_space<any>>
    %dma_wait3A_557 = arith.constant 0 : i32
    %dma_wait3A_558 = tpu.memref_slice %arg2[%dma_wait3A_554, %dma_wait3A_557] : memref<64x40064xf32, #tpu.memory_space<vmem>> -> memref<1x40064xf32, #tpu.memory_space<vmem>>
    %dma_wait3A_559 = tpu.memref_squeeze %dma_wait3A_558 : memref<1x40064xf32, #tpu.memory_space<vmem>> -> memref<40064xf32, #tpu.memory_space<vmem>>
    tpu.wait_dma2 semaphore(%arg3 : memref<!tpu.dma_semaphore, #tpu.memory_space<semaphore_mem>>) src(%dma_wait3A_559 : memref<40064xf32, #tpu.memory_space<vmem>>) dst(%dma_wait3A_556 : memref<40064xf32, #tpu.memory_space<any>>)
    %dma_wait3A_560 = arith.constant 29 : i32
    %dma_wait3A_561 = arith.constant 1161856 : i32
    %dma_wait3A_562 = tpu.memref_slice %arg1[%dma_wait3A_561] : memref<2564096xf32, #tpu.memory_space<any>> -> memref<40064xf32, #tpu.memory_space<any>>
    %dma_wait3A_563 = arith.constant 0 : i32
    %dma_wait3A_564 = tpu.memref_slice %arg2[%dma_wait3A_560, %dma_wait3A_563] : memref<64x40064xf32, #tpu.memory_space<vmem>> -> memref<1x40064xf32, #tpu.memory_space<vmem>>
    %dma_wait3A_565 = tpu.memref_squeeze %dma_wait3A_564 : memref<1x40064xf32, #tpu.memory_space<vmem>> -> memref<40064xf32, #tpu.memory_space<vmem>>
    tpu.wait_dma2 semaphore(%arg3 : memref<!tpu.dma_semaphore, #tpu.memory_space<semaphore_mem>>) src(%dma_wait3A_565 : memref<40064xf32, #tpu.memory_space<vmem>>) dst(%dma_wait3A_562 : memref<40064xf32, #tpu.memory_space<any>>)
    %dma_wait3A_566 = arith.constant 30 : i32
    %dma_wait3A_567 = arith.constant 1201920 : i32
    %dma_wait3A_568 = tpu.memref_slice %arg1[%dma_wait3A_567] : memref<2564096xf32, #tpu.memory_space<any>> -> memref<40064xf32, #tpu.memory_space<any>>
    %dma_wait3A_569 = arith.constant 0 : i32
    %dma_wait3A_570 = tpu.memref_slice %arg2[%dma_wait3A_566, %dma_wait3A_569] : memref<64x40064xf32, #tpu.memory_space<vmem>> -> memref<1x40064xf32, #tpu.memory_space<vmem>>
    %dma_wait3A_571 = tpu.memref_squeeze %dma_wait3A_570 : memref<1x40064xf32, #tpu.memory_space<vmem>> -> memref<40064xf32, #tpu.memory_space<vmem>>
    tpu.wait_dma2 semaphore(%arg3 : memref<!tpu.dma_semaphore, #tpu.memory_space<semaphore_mem>>) src(%dma_wait3A_571 : memref<40064xf32, #tpu.memory_space<vmem>>) dst(%dma_wait3A_568 : memref<40064xf32, #tpu.memory_space<any>>)
    %dma_wait3A_572 = arith.constant 31 : i32
    %dma_wait3A_573 = arith.constant 1241984 : i32
    %dma_wait3A_574 = tpu.memref_slice %arg1[%dma_wait3A_573] : memref<2564096xf32, #tpu.memory_space<any>> -> memref<40064xf32, #tpu.memory_space<any>>
    %dma_wait3A_575 = arith.constant 0 : i32
    %dma_wait3A_576 = tpu.memref_slice %arg2[%dma_wait3A_572, %dma_wait3A_575] : memref<64x40064xf32, #tpu.memory_space<vmem>> -> memref<1x40064xf32, #tpu.memory_space<vmem>>
    %dma_wait3A_577 = tpu.memref_squeeze %dma_wait3A_576 : memref<1x40064xf32, #tpu.memory_space<vmem>> -> memref<40064xf32, #tpu.memory_space<vmem>>
    tpu.wait_dma2 semaphore(%arg3 : memref<!tpu.dma_semaphore, #tpu.memory_space<semaphore_mem>>) src(%dma_wait3A_577 : memref<40064xf32, #tpu.memory_space<vmem>>) dst(%dma_wait3A_574 : memref<40064xf32, #tpu.memory_space<any>>)
    %dma_wait3A_578 = arith.constant 32 : i32
    %dma_wait3A_579 = arith.constant 1282048 : i32
    %dma_wait3A_580 = tpu.memref_slice %arg1[%dma_wait3A_579] : memref<2564096xf32, #tpu.memory_space<any>> -> memref<40064xf32, #tpu.memory_space<any>>
    %dma_wait3A_581 = arith.constant 0 : i32
    %dma_wait3A_582 = tpu.memref_slice %arg2[%dma_wait3A_578, %dma_wait3A_581] : memref<64x40064xf32, #tpu.memory_space<vmem>> -> memref<1x40064xf32, #tpu.memory_space<vmem>>
    %dma_wait3A_583 = tpu.memref_squeeze %dma_wait3A_582 : memref<1x40064xf32, #tpu.memory_space<vmem>> -> memref<40064xf32, #tpu.memory_space<vmem>>
    tpu.wait_dma2 semaphore(%arg3 : memref<!tpu.dma_semaphore, #tpu.memory_space<semaphore_mem>>) src(%dma_wait3A_583 : memref<40064xf32, #tpu.memory_space<vmem>>) dst(%dma_wait3A_580 : memref<40064xf32, #tpu.memory_space<any>>)
    %dma_wait3A_584 = arith.constant 33 : i32
    %dma_wait3A_585 = arith.constant 1322112 : i32
    %dma_wait3A_586 = tpu.memref_slice %arg1[%dma_wait3A_585] : memref<2564096xf32, #tpu.memory_space<any>> -> memref<40064xf32, #tpu.memory_space<any>>
    %dma_wait3A_587 = arith.constant 0 : i32
    %dma_wait3A_588 = tpu.memref_slice %arg2[%dma_wait3A_584, %dma_wait3A_587] : memref<64x40064xf32, #tpu.memory_space<vmem>> -> memref<1x40064xf32, #tpu.memory_space<vmem>>
    %dma_wait3A_589 = tpu.memref_squeeze %dma_wait3A_588 : memref<1x40064xf32, #tpu.memory_space<vmem>> -> memref<40064xf32, #tpu.memory_space<vmem>>
    tpu.wait_dma2 semaphore(%arg3 : memref<!tpu.dma_semaphore, #tpu.memory_space<semaphore_mem>>) src(%dma_wait3A_589 : memref<40064xf32, #tpu.memory_space<vmem>>) dst(%dma_wait3A_586 : memref<40064xf32, #tpu.memory_space<any>>)
    %dma_wait3A_590 = arith.constant 34 : i32
    %dma_wait3A_591 = arith.constant 1362176 : i32
    %dma_wait3A_592 = tpu.memref_slice %arg1[%dma_wait3A_591] : memref<2564096xf32, #tpu.memory_space<any>> -> memref<40064xf32, #tpu.memory_space<any>>
    %dma_wait3A_593 = arith.constant 0 : i32
    %dma_wait3A_594 = tpu.memref_slice %arg2[%dma_wait3A_590, %dma_wait3A_593] : memref<64x40064xf32, #tpu.memory_space<vmem>> -> memref<1x40064xf32, #tpu.memory_space<vmem>>
    %dma_wait3A_595 = tpu.memref_squeeze %dma_wait3A_594 : memref<1x40064xf32, #tpu.memory_space<vmem>> -> memref<40064xf32, #tpu.memory_space<vmem>>
    tpu.wait_dma2 semaphore(%arg3 : memref<!tpu.dma_semaphore, #tpu.memory_space<semaphore_mem>>) src(%dma_wait3A_595 : memref<40064xf32, #tpu.memory_space<vmem>>) dst(%dma_wait3A_592 : memref<40064xf32, #tpu.memory_space<any>>)
    %dma_wait3A_596 = arith.constant 35 : i32
    %dma_wait3A_597 = arith.constant 1402240 : i32
    %dma_wait3A_598 = tpu.memref_slice %arg1[%dma_wait3A_597] : memref<2564096xf32, #tpu.memory_space<any>> -> memref<40064xf32, #tpu.memory_space<any>>
    %dma_wait3A_599 = arith.constant 0 : i32
    %dma_wait3A_600 = tpu.memref_slice %arg2[%dma_wait3A_596, %dma_wait3A_599] : memref<64x40064xf32, #tpu.memory_space<vmem>> -> memref<1x40064xf32, #tpu.memory_space<vmem>>
    %dma_wait3A_601 = tpu.memref_squeeze %dma_wait3A_600 : memref<1x40064xf32, #tpu.memory_space<vmem>> -> memref<40064xf32, #tpu.memory_space<vmem>>
    tpu.wait_dma2 semaphore(%arg3 : memref<!tpu.dma_semaphore, #tpu.memory_space<semaphore_mem>>) src(%dma_wait3A_601 : memref<40064xf32, #tpu.memory_space<vmem>>) dst(%dma_wait3A_598 : memref<40064xf32, #tpu.memory_space<any>>)
    %dma_wait3A_602 = arith.constant 36 : i32
    %dma_wait3A_603 = arith.constant 1442304 : i32
    %dma_wait3A_604 = tpu.memref_slice %arg1[%dma_wait3A_603] : memref<2564096xf32, #tpu.memory_space<any>> -> memref<40064xf32, #tpu.memory_space<any>>
    %dma_wait3A_605 = arith.constant 0 : i32
    %dma_wait3A_606 = tpu.memref_slice %arg2[%dma_wait3A_602, %dma_wait3A_605] : memref<64x40064xf32, #tpu.memory_space<vmem>> -> memref<1x40064xf32, #tpu.memory_space<vmem>>
    %dma_wait3A_607 = tpu.memref_squeeze %dma_wait3A_606 : memref<1x40064xf32, #tpu.memory_space<vmem>> -> memref<40064xf32, #tpu.memory_space<vmem>>
    tpu.wait_dma2 semaphore(%arg3 : memref<!tpu.dma_semaphore, #tpu.memory_space<semaphore_mem>>) src(%dma_wait3A_607 : memref<40064xf32, #tpu.memory_space<vmem>>) dst(%dma_wait3A_604 : memref<40064xf32, #tpu.memory_space<any>>)
    %dma_wait3A_608 = arith.constant 37 : i32
    %dma_wait3A_609 = arith.constant 1482368 : i32
    %dma_wait3A_610 = tpu.memref_slice %arg1[%dma_wait3A_609] : memref<2564096xf32, #tpu.memory_space<any>> -> memref<40064xf32, #tpu.memory_space<any>>
    %dma_wait3A_611 = arith.constant 0 : i32
    %dma_wait3A_612 = tpu.memref_slice %arg2[%dma_wait3A_608, %dma_wait3A_611] : memref<64x40064xf32, #tpu.memory_space<vmem>> -> memref<1x40064xf32, #tpu.memory_space<vmem>>
    %dma_wait3A_613 = tpu.memref_squeeze %dma_wait3A_612 : memref<1x40064xf32, #tpu.memory_space<vmem>> -> memref<40064xf32, #tpu.memory_space<vmem>>
    tpu.wait_dma2 semaphore(%arg3 : memref<!tpu.dma_semaphore, #tpu.memory_space<semaphore_mem>>) src(%dma_wait3A_613 : memref<40064xf32, #tpu.memory_space<vmem>>) dst(%dma_wait3A_610 : memref<40064xf32, #tpu.memory_space<any>>)
    %dma_wait3A_614 = arith.constant 38 : i32
    %dma_wait3A_615 = arith.constant 1522432 : i32
    %dma_wait3A_616 = tpu.memref_slice %arg1[%dma_wait3A_615] : memref<2564096xf32, #tpu.memory_space<any>> -> memref<40064xf32, #tpu.memory_space<any>>
    %dma_wait3A_617 = arith.constant 0 : i32
    %dma_wait3A_618 = tpu.memref_slice %arg2[%dma_wait3A_614, %dma_wait3A_617] : memref<64x40064xf32, #tpu.memory_space<vmem>> -> memref<1x40064xf32, #tpu.memory_space<vmem>>
    %dma_wait3A_619 = tpu.memref_squeeze %dma_wait3A_618 : memref<1x40064xf32, #tpu.memory_space<vmem>> -> memref<40064xf32, #tpu.memory_space<vmem>>
    tpu.wait_dma2 semaphore(%arg3 : memref<!tpu.dma_semaphore, #tpu.memory_space<semaphore_mem>>) src(%dma_wait3A_619 : memref<40064xf32, #tpu.memory_space<vmem>>) dst(%dma_wait3A_616 : memref<40064xf32, #tpu.memory_space<any>>)
    %dma_wait3A_620 = arith.constant 39 : i32
    %dma_wait3A_621 = arith.constant 1562496 : i32
    %dma_wait3A_622 = tpu.memref_slice %arg1[%dma_wait3A_621] : memref<2564096xf32, #tpu.memory_space<any>> -> memref<40064xf32, #tpu.memory_space<any>>
    %dma_wait3A_623 = arith.constant 0 : i32
    %dma_wait3A_624 = tpu.memref_slice %arg2[%dma_wait3A_620, %dma_wait3A_623] : memref<64x40064xf32, #tpu.memory_space<vmem>> -> memref<1x40064xf32, #tpu.memory_space<vmem>>
    %dma_wait3A_625 = tpu.memref_squeeze %dma_wait3A_624 : memref<1x40064xf32, #tpu.memory_space<vmem>> -> memref<40064xf32, #tpu.memory_space<vmem>>
    tpu.wait_dma2 semaphore(%arg3 : memref<!tpu.dma_semaphore, #tpu.memory_space<semaphore_mem>>) src(%dma_wait3A_625 : memref<40064xf32, #tpu.memory_space<vmem>>) dst(%dma_wait3A_622 : memref<40064xf32, #tpu.memory_space<any>>)
    %dma_wait3A_626 = arith.constant 40 : i32
    %dma_wait3A_627 = arith.constant 1602560 : i32
    %dma_wait3A_628 = tpu.memref_slice %arg1[%dma_wait3A_627] : memref<2564096xf32, #tpu.memory_space<any>> -> memref<40064xf32, #tpu.memory_space<any>>
    %dma_wait3A_629 = arith.constant 0 : i32
    %dma_wait3A_630 = tpu.memref_slice %arg2[%dma_wait3A_626, %dma_wait3A_629] : memref<64x40064xf32, #tpu.memory_space<vmem>> -> memref<1x40064xf32, #tpu.memory_space<vmem>>
    %dma_wait3A_631 = tpu.memref_squeeze %dma_wait3A_630 : memref<1x40064xf32, #tpu.memory_space<vmem>> -> memref<40064xf32, #tpu.memory_space<vmem>>
    tpu.wait_dma2 semaphore(%arg3 : memref<!tpu.dma_semaphore, #tpu.memory_space<semaphore_mem>>) src(%dma_wait3A_631 : memref<40064xf32, #tpu.memory_space<vmem>>) dst(%dma_wait3A_628 : memref<40064xf32, #tpu.memory_space<any>>)
    %dma_wait3A_632 = arith.constant 41 : i32
    %dma_wait3A_633 = arith.constant 1642624 : i32
    %dma_wait3A_634 = tpu.memref_slice %arg1[%dma_wait3A_633] : memref<2564096xf32, #tpu.memory_space<any>> -> memref<40064xf32, #tpu.memory_space<any>>
    %dma_wait3A_635 = arith.constant 0 : i32
    %dma_wait3A_636 = tpu.memref_slice %arg2[%dma_wait3A_632, %dma_wait3A_635] : memref<64x40064xf32, #tpu.memory_space<vmem>> -> memref<1x40064xf32, #tpu.memory_space<vmem>>
    %dma_wait3A_637 = tpu.memref_squeeze %dma_wait3A_636 : memref<1x40064xf32, #tpu.memory_space<vmem>> -> memref<40064xf32, #tpu.memory_space<vmem>>
    tpu.wait_dma2 semaphore(%arg3 : memref<!tpu.dma_semaphore, #tpu.memory_space<semaphore_mem>>) src(%dma_wait3A_637 : memref<40064xf32, #tpu.memory_space<vmem>>) dst(%dma_wait3A_634 : memref<40064xf32, #tpu.memory_space<any>>)
    %dma_wait3A_638 = arith.constant 42 : i32
    %dma_wait3A_639 = arith.constant 1682688 : i32
    %dma_wait3A_640 = tpu.memref_slice %arg1[%dma_wait3A_639] : memref<2564096xf32, #tpu.memory_space<any>> -> memref<40064xf32, #tpu.memory_space<any>>
    %dma_wait3A_641 = arith.constant 0 : i32
    %dma_wait3A_642 = tpu.memref_slice %arg2[%dma_wait3A_638, %dma_wait3A_641] : memref<64x40064xf32, #tpu.memory_space<vmem>> -> memref<1x40064xf32, #tpu.memory_space<vmem>>
    %dma_wait3A_643 = tpu.memref_squeeze %dma_wait3A_642 : memref<1x40064xf32, #tpu.memory_space<vmem>> -> memref<40064xf32, #tpu.memory_space<vmem>>
    tpu.wait_dma2 semaphore(%arg3 : memref<!tpu.dma_semaphore, #tpu.memory_space<semaphore_mem>>) src(%dma_wait3A_643 : memref<40064xf32, #tpu.memory_space<vmem>>) dst(%dma_wait3A_640 : memref<40064xf32, #tpu.memory_space<any>>)
    %dma_wait3A_644 = arith.constant 43 : i32
    %dma_wait3A_645 = arith.constant 1722752 : i32
    %dma_wait3A_646 = tpu.memref_slice %arg1[%dma_wait3A_645] : memref<2564096xf32, #tpu.memory_space<any>> -> memref<40064xf32, #tpu.memory_space<any>>
    %dma_wait3A_647 = arith.constant 0 : i32
    %dma_wait3A_648 = tpu.memref_slice %arg2[%dma_wait3A_644, %dma_wait3A_647] : memref<64x40064xf32, #tpu.memory_space<vmem>> -> memref<1x40064xf32, #tpu.memory_space<vmem>>
    %dma_wait3A_649 = tpu.memref_squeeze %dma_wait3A_648 : memref<1x40064xf32, #tpu.memory_space<vmem>> -> memref<40064xf32, #tpu.memory_space<vmem>>
    tpu.wait_dma2 semaphore(%arg3 : memref<!tpu.dma_semaphore, #tpu.memory_space<semaphore_mem>>) src(%dma_wait3A_649 : memref<40064xf32, #tpu.memory_space<vmem>>) dst(%dma_wait3A_646 : memref<40064xf32, #tpu.memory_space<any>>)
    %dma_wait3A_650 = arith.constant 44 : i32
    %dma_wait3A_651 = arith.constant 1762816 : i32
    %dma_wait3A_652 = tpu.memref_slice %arg1[%dma_wait3A_651] : memref<2564096xf32, #tpu.memory_space<any>> -> memref<40064xf32, #tpu.memory_space<any>>
    %dma_wait3A_653 = arith.constant 0 : i32
    %dma_wait3A_654 = tpu.memref_slice %arg2[%dma_wait3A_650, %dma_wait3A_653] : memref<64x40064xf32, #tpu.memory_space<vmem>> -> memref<1x40064xf32, #tpu.memory_space<vmem>>
    %dma_wait3A_655 = tpu.memref_squeeze %dma_wait3A_654 : memref<1x40064xf32, #tpu.memory_space<vmem>> -> memref<40064xf32, #tpu.memory_space<vmem>>
    tpu.wait_dma2 semaphore(%arg3 : memref<!tpu.dma_semaphore, #tpu.memory_space<semaphore_mem>>) src(%dma_wait3A_655 : memref<40064xf32, #tpu.memory_space<vmem>>) dst(%dma_wait3A_652 : memref<40064xf32, #tpu.memory_space<any>>)
    %dma_wait3A_656 = arith.constant 45 : i32
    %dma_wait3A_657 = arith.constant 1802880 : i32
    %dma_wait3A_658 = tpu.memref_slice %arg1[%dma_wait3A_657] : memref<2564096xf32, #tpu.memory_space<any>> -> memref<40064xf32, #tpu.memory_space<any>>
    %dma_wait3A_659 = arith.constant 0 : i32
    %dma_wait3A_660 = tpu.memref_slice %arg2[%dma_wait3A_656, %dma_wait3A_659] : memref<64x40064xf32, #tpu.memory_space<vmem>> -> memref<1x40064xf32, #tpu.memory_space<vmem>>
    %dma_wait3A_661 = tpu.memref_squeeze %dma_wait3A_660 : memref<1x40064xf32, #tpu.memory_space<vmem>> -> memref<40064xf32, #tpu.memory_space<vmem>>
    tpu.wait_dma2 semaphore(%arg3 : memref<!tpu.dma_semaphore, #tpu.memory_space<semaphore_mem>>) src(%dma_wait3A_661 : memref<40064xf32, #tpu.memory_space<vmem>>) dst(%dma_wait3A_658 : memref<40064xf32, #tpu.memory_space<any>>)
    %dma_wait3A_662 = arith.constant 46 : i32
    %dma_wait3A_663 = arith.constant 1842944 : i32
    %dma_wait3A_664 = tpu.memref_slice %arg1[%dma_wait3A_663] : memref<2564096xf32, #tpu.memory_space<any>> -> memref<40064xf32, #tpu.memory_space<any>>
    %dma_wait3A_665 = arith.constant 0 : i32
    %dma_wait3A_666 = tpu.memref_slice %arg2[%dma_wait3A_662, %dma_wait3A_665] : memref<64x40064xf32, #tpu.memory_space<vmem>> -> memref<1x40064xf32, #tpu.memory_space<vmem>>
    %dma_wait3A_667 = tpu.memref_squeeze %dma_wait3A_666 : memref<1x40064xf32, #tpu.memory_space<vmem>> -> memref<40064xf32, #tpu.memory_space<vmem>>
    tpu.wait_dma2 semaphore(%arg3 : memref<!tpu.dma_semaphore, #tpu.memory_space<semaphore_mem>>) src(%dma_wait3A_667 : memref<40064xf32, #tpu.memory_space<vmem>>) dst(%dma_wait3A_664 : memref<40064xf32, #tpu.memory_space<any>>)
    %dma_wait3A_668 = arith.constant 47 : i32
    %dma_wait3A_669 = arith.constant 1883008 : i32
    %dma_wait3A_670 = tpu.memref_slice %arg1[%dma_wait3A_669] : memref<2564096xf32, #tpu.memory_space<any>> -> memref<40064xf32, #tpu.memory_space<any>>
    %dma_wait3A_671 = arith.constant 0 : i32
    %dma_wait3A_672 = tpu.memref_slice %arg2[%dma_wait3A_668, %dma_wait3A_671] : memref<64x40064xf32, #tpu.memory_space<vmem>> -> memref<1x40064xf32, #tpu.memory_space<vmem>>
    %dma_wait3A_673 = tpu.memref_squeeze %dma_wait3A_672 : memref<1x40064xf32, #tpu.memory_space<vmem>> -> memref<40064xf32, #tpu.memory_space<vmem>>
    tpu.wait_dma2 semaphore(%arg3 : memref<!tpu.dma_semaphore, #tpu.memory_space<semaphore_mem>>) src(%dma_wait3A_673 : memref<40064xf32, #tpu.memory_space<vmem>>) dst(%dma_wait3A_670 : memref<40064xf32, #tpu.memory_space<any>>)
    %dma_wait3A_674 = arith.constant 48 : i32
    %dma_wait3A_675 = arith.constant 1923072 : i32
    %dma_wait3A_676 = tpu.memref_slice %arg1[%dma_wait3A_675] : memref<2564096xf32, #tpu.memory_space<any>> -> memref<40064xf32, #tpu.memory_space<any>>
    %dma_wait3A_677 = arith.constant 0 : i32
    %dma_wait3A_678 = tpu.memref_slice %arg2[%dma_wait3A_674, %dma_wait3A_677] : memref<64x40064xf32, #tpu.memory_space<vmem>> -> memref<1x40064xf32, #tpu.memory_space<vmem>>
    %dma_wait3A_679 = tpu.memref_squeeze %dma_wait3A_678 : memref<1x40064xf32, #tpu.memory_space<vmem>> -> memref<40064xf32, #tpu.memory_space<vmem>>
    tpu.wait_dma2 semaphore(%arg3 : memref<!tpu.dma_semaphore, #tpu.memory_space<semaphore_mem>>) src(%dma_wait3A_679 : memref<40064xf32, #tpu.memory_space<vmem>>) dst(%dma_wait3A_676 : memref<40064xf32, #tpu.memory_space<any>>)
    %dma_wait3A_680 = arith.constant 49 : i32
    %dma_wait3A_681 = arith.constant 1963136 : i32
    %dma_wait3A_682 = tpu.memref_slice %arg1[%dma_wait3A_681] : memref<2564096xf32, #tpu.memory_space<any>> -> memref<40064xf32, #tpu.memory_space<any>>
    %dma_wait3A_683 = arith.constant 0 : i32
    %dma_wait3A_684 = tpu.memref_slice %arg2[%dma_wait3A_680, %dma_wait3A_683] : memref<64x40064xf32, #tpu.memory_space<vmem>> -> memref<1x40064xf32, #tpu.memory_space<vmem>>
    %dma_wait3A_685 = tpu.memref_squeeze %dma_wait3A_684 : memref<1x40064xf32, #tpu.memory_space<vmem>> -> memref<40064xf32, #tpu.memory_space<vmem>>
    tpu.wait_dma2 semaphore(%arg3 : memref<!tpu.dma_semaphore, #tpu.memory_space<semaphore_mem>>) src(%dma_wait3A_685 : memref<40064xf32, #tpu.memory_space<vmem>>) dst(%dma_wait3A_682 : memref<40064xf32, #tpu.memory_space<any>>)
    %dma_wait3A_686 = arith.constant 50 : i32
    %dma_wait3A_687 = arith.constant 2003200 : i32
    %dma_wait3A_688 = tpu.memref_slice %arg1[%dma_wait3A_687] : memref<2564096xf32, #tpu.memory_space<any>> -> memref<40064xf32, #tpu.memory_space<any>>
    %dma_wait3A_689 = arith.constant 0 : i32
    %dma_wait3A_690 = tpu.memref_slice %arg2[%dma_wait3A_686, %dma_wait3A_689] : memref<64x40064xf32, #tpu.memory_space<vmem>> -> memref<1x40064xf32, #tpu.memory_space<vmem>>
    %dma_wait3A_691 = tpu.memref_squeeze %dma_wait3A_690 : memref<1x40064xf32, #tpu.memory_space<vmem>> -> memref<40064xf32, #tpu.memory_space<vmem>>
    tpu.wait_dma2 semaphore(%arg3 : memref<!tpu.dma_semaphore, #tpu.memory_space<semaphore_mem>>) src(%dma_wait3A_691 : memref<40064xf32, #tpu.memory_space<vmem>>) dst(%dma_wait3A_688 : memref<40064xf32, #tpu.memory_space<any>>)
    %dma_wait3A_692 = arith.constant 51 : i32
    %dma_wait3A_693 = arith.constant 2043264 : i32
    %dma_wait3A_694 = tpu.memref_slice %arg1[%dma_wait3A_693] : memref<2564096xf32, #tpu.memory_space<any>> -> memref<40064xf32, #tpu.memory_space<any>>
    %dma_wait3A_695 = arith.constant 0 : i32
    %dma_wait3A_696 = tpu.memref_slice %arg2[%dma_wait3A_692, %dma_wait3A_695] : memref<64x40064xf32, #tpu.memory_space<vmem>> -> memref<1x40064xf32, #tpu.memory_space<vmem>>
    %dma_wait3A_697 = tpu.memref_squeeze %dma_wait3A_696 : memref<1x40064xf32, #tpu.memory_space<vmem>> -> memref<40064xf32, #tpu.memory_space<vmem>>
    tpu.wait_dma2 semaphore(%arg3 : memref<!tpu.dma_semaphore, #tpu.memory_space<semaphore_mem>>) src(%dma_wait3A_697 : memref<40064xf32, #tpu.memory_space<vmem>>) dst(%dma_wait3A_694 : memref<40064xf32, #tpu.memory_space<any>>)
    %dma_wait3A_698 = arith.constant 52 : i32
    %dma_wait3A_699 = arith.constant 2083328 : i32
    %dma_wait3A_700 = tpu.memref_slice %arg1[%dma_wait3A_699] : memref<2564096xf32, #tpu.memory_space<any>> -> memref<40064xf32, #tpu.memory_space<any>>
    %dma_wait3A_701 = arith.constant 0 : i32
    %dma_wait3A_702 = tpu.memref_slice %arg2[%dma_wait3A_698, %dma_wait3A_701] : memref<64x40064xf32, #tpu.memory_space<vmem>> -> memref<1x40064xf32, #tpu.memory_space<vmem>>
    %dma_wait3A_703 = tpu.memref_squeeze %dma_wait3A_702 : memref<1x40064xf32, #tpu.memory_space<vmem>> -> memref<40064xf32, #tpu.memory_space<vmem>>
    tpu.wait_dma2 semaphore(%arg3 : memref<!tpu.dma_semaphore, #tpu.memory_space<semaphore_mem>>) src(%dma_wait3A_703 : memref<40064xf32, #tpu.memory_space<vmem>>) dst(%dma_wait3A_700 : memref<40064xf32, #tpu.memory_space<any>>)
    %dma_wait3A_704 = arith.constant 53 : i32
    %dma_wait3A_705 = arith.constant 2123392 : i32
    %dma_wait3A_706 = tpu.memref_slice %arg1[%dma_wait3A_705] : memref<2564096xf32, #tpu.memory_space<any>> -> memref<40064xf32, #tpu.memory_space<any>>
    %dma_wait3A_707 = arith.constant 0 : i32
    %dma_wait3A_708 = tpu.memref_slice %arg2[%dma_wait3A_704, %dma_wait3A_707] : memref<64x40064xf32, #tpu.memory_space<vmem>> -> memref<1x40064xf32, #tpu.memory_space<vmem>>
    %dma_wait3A_709 = tpu.memref_squeeze %dma_wait3A_708 : memref<1x40064xf32, #tpu.memory_space<vmem>> -> memref<40064xf32, #tpu.memory_space<vmem>>
    tpu.wait_dma2 semaphore(%arg3 : memref<!tpu.dma_semaphore, #tpu.memory_space<semaphore_mem>>) src(%dma_wait3A_709 : memref<40064xf32, #tpu.memory_space<vmem>>) dst(%dma_wait3A_706 : memref<40064xf32, #tpu.memory_space<any>>)
    %dma_wait3A_710 = arith.constant 54 : i32
    %dma_wait3A_711 = arith.constant 2163456 : i32
    %dma_wait3A_712 = tpu.memref_slice %arg1[%dma_wait3A_711] : memref<2564096xf32, #tpu.memory_space<any>> -> memref<40064xf32, #tpu.memory_space<any>>
    %dma_wait3A_713 = arith.constant 0 : i32
    %dma_wait3A_714 = tpu.memref_slice %arg2[%dma_wait3A_710, %dma_wait3A_713] : memref<64x40064xf32, #tpu.memory_space<vmem>> -> memref<1x40064xf32, #tpu.memory_space<vmem>>
    %dma_wait3A_715 = tpu.memref_squeeze %dma_wait3A_714 : memref<1x40064xf32, #tpu.memory_space<vmem>> -> memref<40064xf32, #tpu.memory_space<vmem>>
    tpu.wait_dma2 semaphore(%arg3 : memref<!tpu.dma_semaphore, #tpu.memory_space<semaphore_mem>>) src(%dma_wait3A_715 : memref<40064xf32, #tpu.memory_space<vmem>>) dst(%dma_wait3A_712 : memref<40064xf32, #tpu.memory_space<any>>)
    %dma_wait3A_716 = arith.constant 55 : i32
    %dma_wait3A_717 = arith.constant 2203520 : i32
    %dma_wait3A_718 = tpu.memref_slice %arg1[%dma_wait3A_717] : memref<2564096xf32, #tpu.memory_space<any>> -> memref<40064xf32, #tpu.memory_space<any>>
    %dma_wait3A_719 = arith.constant 0 : i32
    %dma_wait3A_720 = tpu.memref_slice %arg2[%dma_wait3A_716, %dma_wait3A_719] : memref<64x40064xf32, #tpu.memory_space<vmem>> -> memref<1x40064xf32, #tpu.memory_space<vmem>>
    %dma_wait3A_721 = tpu.memref_squeeze %dma_wait3A_720 : memref<1x40064xf32, #tpu.memory_space<vmem>> -> memref<40064xf32, #tpu.memory_space<vmem>>
    tpu.wait_dma2 semaphore(%arg3 : memref<!tpu.dma_semaphore, #tpu.memory_space<semaphore_mem>>) src(%dma_wait3A_721 : memref<40064xf32, #tpu.memory_space<vmem>>) dst(%dma_wait3A_718 : memref<40064xf32, #tpu.memory_space<any>>)
    %dma_wait3A_722 = arith.constant 56 : i32
    %dma_wait3A_723 = arith.constant 2243584 : i32
    %dma_wait3A_724 = tpu.memref_slice %arg1[%dma_wait3A_723] : memref<2564096xf32, #tpu.memory_space<any>> -> memref<40064xf32, #tpu.memory_space<any>>
    %dma_wait3A_725 = arith.constant 0 : i32
    %dma_wait3A_726 = tpu.memref_slice %arg2[%dma_wait3A_722, %dma_wait3A_725] : memref<64x40064xf32, #tpu.memory_space<vmem>> -> memref<1x40064xf32, #tpu.memory_space<vmem>>
    %dma_wait3A_727 = tpu.memref_squeeze %dma_wait3A_726 : memref<1x40064xf32, #tpu.memory_space<vmem>> -> memref<40064xf32, #tpu.memory_space<vmem>>
    tpu.wait_dma2 semaphore(%arg3 : memref<!tpu.dma_semaphore, #tpu.memory_space<semaphore_mem>>) src(%dma_wait3A_727 : memref<40064xf32, #tpu.memory_space<vmem>>) dst(%dma_wait3A_724 : memref<40064xf32, #tpu.memory_space<any>>)
    %dma_wait3A_728 = arith.constant 57 : i32
    %dma_wait3A_729 = arith.constant 2283648 : i32
    %dma_wait3A_730 = tpu.memref_slice %arg1[%dma_wait3A_729] : memref<2564096xf32, #tpu.memory_space<any>> -> memref<40064xf32, #tpu.memory_space<any>>
    %dma_wait3A_731 = arith.constant 0 : i32
    %dma_wait3A_732 = tpu.memref_slice %arg2[%dma_wait3A_728, %dma_wait3A_731] : memref<64x40064xf32, #tpu.memory_space<vmem>> -> memref<1x40064xf32, #tpu.memory_space<vmem>>
    %dma_wait3A_733 = tpu.memref_squeeze %dma_wait3A_732 : memref<1x40064xf32, #tpu.memory_space<vmem>> -> memref<40064xf32, #tpu.memory_space<vmem>>
    tpu.wait_dma2 semaphore(%arg3 : memref<!tpu.dma_semaphore, #tpu.memory_space<semaphore_mem>>) src(%dma_wait3A_733 : memref<40064xf32, #tpu.memory_space<vmem>>) dst(%dma_wait3A_730 : memref<40064xf32, #tpu.memory_space<any>>)
    %dma_wait3A_734 = arith.constant 58 : i32
    %dma_wait3A_735 = arith.constant 2323712 : i32
    %dma_wait3A_736 = tpu.memref_slice %arg1[%dma_wait3A_735] : memref<2564096xf32, #tpu.memory_space<any>> -> memref<40064xf32, #tpu.memory_space<any>>
    %dma_wait3A_737 = arith.constant 0 : i32
    %dma_wait3A_738 = tpu.memref_slice %arg2[%dma_wait3A_734, %dma_wait3A_737] : memref<64x40064xf32, #tpu.memory_space<vmem>> -> memref<1x40064xf32, #tpu.memory_space<vmem>>
    %dma_wait3A_739 = tpu.memref_squeeze %dma_wait3A_738 : memref<1x40064xf32, #tpu.memory_space<vmem>> -> memref<40064xf32, #tpu.memory_space<vmem>>
    tpu.wait_dma2 semaphore(%arg3 : memref<!tpu.dma_semaphore, #tpu.memory_space<semaphore_mem>>) src(%dma_wait3A_739 : memref<40064xf32, #tpu.memory_space<vmem>>) dst(%dma_wait3A_736 : memref<40064xf32, #tpu.memory_space<any>>)
    %dma_wait3A_740 = arith.constant 59 : i32
    %dma_wait3A_741 = arith.constant 2363776 : i32
    %dma_wait3A_742 = tpu.memref_slice %arg1[%dma_wait3A_741] : memref<2564096xf32, #tpu.memory_space<any>> -> memref<40064xf32, #tpu.memory_space<any>>
    %dma_wait3A_743 = arith.constant 0 : i32
    %dma_wait3A_744 = tpu.memref_slice %arg2[%dma_wait3A_740, %dma_wait3A_743] : memref<64x40064xf32, #tpu.memory_space<vmem>> -> memref<1x40064xf32, #tpu.memory_space<vmem>>
    %dma_wait3A_745 = tpu.memref_squeeze %dma_wait3A_744 : memref<1x40064xf32, #tpu.memory_space<vmem>> -> memref<40064xf32, #tpu.memory_space<vmem>>
    tpu.wait_dma2 semaphore(%arg3 : memref<!tpu.dma_semaphore, #tpu.memory_space<semaphore_mem>>) src(%dma_wait3A_745 : memref<40064xf32, #tpu.memory_space<vmem>>) dst(%dma_wait3A_742 : memref<40064xf32, #tpu.memory_space<any>>)
    %dma_wait3A_746 = arith.constant 60 : i32
    %dma_wait3A_747 = arith.constant 2403840 : i32
    %dma_wait3A_748 = tpu.memref_slice %arg1[%dma_wait3A_747] : memref<2564096xf32, #tpu.memory_space<any>> -> memref<40064xf32, #tpu.memory_space<any>>
    %dma_wait3A_749 = arith.constant 0 : i32
    %dma_wait3A_750 = tpu.memref_slice %arg2[%dma_wait3A_746, %dma_wait3A_749] : memref<64x40064xf32, #tpu.memory_space<vmem>> -> memref<1x40064xf32, #tpu.memory_space<vmem>>
    %dma_wait3A_751 = tpu.memref_squeeze %dma_wait3A_750 : memref<1x40064xf32, #tpu.memory_space<vmem>> -> memref<40064xf32, #tpu.memory_space<vmem>>
    tpu.wait_dma2 semaphore(%arg3 : memref<!tpu.dma_semaphore, #tpu.memory_space<semaphore_mem>>) src(%dma_wait3A_751 : memref<40064xf32, #tpu.memory_space<vmem>>) dst(%dma_wait3A_748 : memref<40064xf32, #tpu.memory_space<any>>)
    %dma_wait3A_752 = arith.constant 61 : i32
    %dma_wait3A_753 = arith.constant 2443904 : i32
    %dma_wait3A_754 = tpu.memref_slice %arg1[%dma_wait3A_753] : memref<2564096xf32, #tpu.memory_space<any>> -> memref<40064xf32, #tpu.memory_space<any>>
    %dma_wait3A_755 = arith.constant 0 : i32
    %dma_wait3A_756 = tpu.memref_slice %arg2[%dma_wait3A_752, %dma_wait3A_755] : memref<64x40064xf32, #tpu.memory_space<vmem>> -> memref<1x40064xf32, #tpu.memory_space<vmem>>
    %dma_wait3A_757 = tpu.memref_squeeze %dma_wait3A_756 : memref<1x40064xf32, #tpu.memory_space<vmem>> -> memref<40064xf32, #tpu.memory_space<vmem>>
    tpu.wait_dma2 semaphore(%arg3 : memref<!tpu.dma_semaphore, #tpu.memory_space<semaphore_mem>>) src(%dma_wait3A_757 : memref<40064xf32, #tpu.memory_space<vmem>>) dst(%dma_wait3A_754 : memref<40064xf32, #tpu.memory_space<any>>)
    %dma_wait3A_758 = arith.constant 62 : i32
    %dma_wait3A_759 = arith.constant 2483968 : i32
    %dma_wait3A_760 = tpu.memref_slice %arg1[%dma_wait3A_759] : memref<2564096xf32, #tpu.memory_space<any>> -> memref<40064xf32, #tpu.memory_space<any>>
    %dma_wait3A_761 = arith.constant 0 : i32
    %dma_wait3A_762 = tpu.memref_slice %arg2[%dma_wait3A_758, %dma_wait3A_761] : memref<64x40064xf32, #tpu.memory_space<vmem>> -> memref<1x40064xf32, #tpu.memory_space<vmem>>
    %dma_wait3A_763 = tpu.memref_squeeze %dma_wait3A_762 : memref<1x40064xf32, #tpu.memory_space<vmem>> -> memref<40064xf32, #tpu.memory_space<vmem>>
    tpu.wait_dma2 semaphore(%arg3 : memref<!tpu.dma_semaphore, #tpu.memory_space<semaphore_mem>>) src(%dma_wait3A_763 : memref<40064xf32, #tpu.memory_space<vmem>>) dst(%dma_wait3A_760 : memref<40064xf32, #tpu.memory_space<any>>)
    %dma_wait3A_764 = arith.constant 63 : i32
    %dma_wait3A_765 = arith.constant 2524032 : i32
    %dma_wait3A_766 = tpu.memref_slice %arg1[%dma_wait3A_765] : memref<2564096xf32, #tpu.memory_space<any>> -> memref<40064xf32, #tpu.memory_space<any>>
    %dma_wait3A_767 = arith.constant 0 : i32
    %dma_wait3A_768 = tpu.memref_slice %arg2[%dma_wait3A_764, %dma_wait3A_767] : memref<64x40064xf32, #tpu.memory_space<vmem>> -> memref<1x40064xf32, #tpu.memory_space<vmem>>
    %dma_wait3A_769 = tpu.memref_squeeze %dma_wait3A_768 : memref<1x40064xf32, #tpu.memory_space<vmem>> -> memref<40064xf32, #tpu.memory_space<vmem>>
    tpu.wait_dma2 semaphore(%arg3 : memref<!tpu.dma_semaphore, #tpu.memory_space<semaphore_mem>>) src(%dma_wait3A_769 : memref<40064xf32, #tpu.memory_space<vmem>>) dst(%dma_wait3A_766 : memref<40064xf32, #tpu.memory_space<any>>)
    return
  }
}

</mosaic_0001>

<sc_bundles>
// kernel: kernel.4.cloned.1.call-start
scs
__scs_entry_jumppad:
0x0: {  	(pc) =	sbr.rel $0x88, $3  }
0x1: {  	(tag) =	ssettag $0x0;
	lr =	simm.s32 $0x1  }
0x2: {  	[smem:$0x3F9F] =	sst lr;
	_ =	strace $0xD0000000  }
0x3: {  	_ = 	snop  }
0x4: {  	_ = 	snop  }
0x5: {  	_ = 	snop  }
0x6: {  	_ = 	snop  }
0x7: {  	_ = 	snop  }
__scs_overlays_trampoline_lowered:
0x8: {  	[smem:$0x3FAE] =	sst s0  }
0x9: {  	[smem:$0x3FAF] =	sst s1  }
0xa: {  	[smem:$0x3FB0] =	sst s2  }
0xb: {  	[smem:$0x3FB1] =	sst s3  }
0xc: {  	[smem:$0x3FB2] =	sst s4  }
0xd: {  	[smem:$0x3FB3] =	sst s5  }
0xe: {  	[smem:$0x3FB4] =	sst s6  }
0xf: {  	[smem:$0x3FB5] =	sst s7  }
0x10: {  	[smem:$0x3FB6] =	sst s8  }
0x11: {  	[smem:$0x3FB7] =	sst s9;
	s0 =	simm.s32 @!p0 $0x0  }
0x12: {  	s1 =	sld [smem:$0x3F9D];
	s0 =	simm.s32 @p0 $0x1  }
0x13: {  	[smem:$0x3FB8] =	sst s0;
	s0 =	simm.s32 @!p1 $0x0  }
0x14: {  	s2 =	sld [smem:$0x3F9C];
	s0 =	simm.s32 @p1 $0x1  }
0x15: {  	[smem:$0x3FB9] =	sst s0;
	s0 =	simm.s32 @!p2 $0x0  }
0x16: {  	s3 =	sld [smem:$0x3FDB];
	s0 =	simm.s32 @p2 $0x1  }
0x17: {  	s4 =	simm.s32 $0x1BF5;
	[smem:$0x3FBB] =	sst s0  }
0x18: {  	s0 =	sld [smem:$0x3F9E];
	_ =	swait.ge [sflag:s4], $0x0  }
0x19: {  	s7 =	sld [smem:$0x3F9F]  }
0x1a: {  	s8 =	sadd.s32 $0xFFFFE003, lr  }
0x1b: {  	s9 =	sadd.s32 $0xFFFFFEF7, lr;
	s5 =	simm.s32 $0xFFFFFFFF;
	p2 =	slt.u32 s8, $0xFFFFF086  }
0x1c: {  	p1 =	slt.u32 s9, $0xF7A;
	s5 =	simm.s32 @!p2 $0x0  }
0x1d: {  	s5 =	simm.s32 @p1 $0x1;
	p0 =	seq.s32 s7, s2  }
0x1e: {  	s7 =	smul.u32 @!p0 $0xF7A, s2;
	p2 =	seq.s32 @!p0 s5, $0x0  }
0x1f: {  	s9 =	smul.u32 $0xF7A, s1;
	s8 =	simm.s32 @!p0 $0x1BF5;
	p2 =	por !p2, p0  }
0x20: {  	[sflag:s8] =	ssyncset.s32 @!p0 $0xFFFFF086;
	s6 =	sadd.s32 @!p0 s3, s7;
	s7 =	simm.s32 @!p0 $0x108  }
0x21: {  	s3 =	sadd.s32 s3, s9;
	s6 =	sadd.s32 @!p0 $0x88, s6;
	s7 =	simm.s32 @p2 $0x1082  }
0x22: {  	[simem:s7], [sflag:s8] =	dma.local @!p0 [hbm:s6], $0xF7A  }
0x23: {  	s9 =	sor.u32 $0xD0000000, s2;
	s6 =	simm.s32 $0x108;
	_ =	swait.ge @!p0 [sflag:s8], $0x0  }
0x24: {  	s3 =	sadd.s32 $0x88, s3;
	s6 =	simm.s32 @!p1 $0x1082;
	[sflag:s4] =	ssyncset.s32 $0xFFFFF086  }
0x25: {  	[simem:s6], [sflag:s4] =	dma.local [hbm:s3], $0xF7A  }
0x26: {  	[smem:$0x3F9F] =	sst s1;
	(tag) =	ssettag s2;
	_ =	strace s9  }
0x27: {  	s1 =	sld [smem:$0x3FAF]  }
0x28: {  	s2 =	sld [smem:$0x3FB0]  }
0x29: {  	s4 =	sld [smem:$0x3FB2]  }
0x2a: {  	p0 =	seq.s32 s5, $0x0;
	s5 =	sld [smem:$0x3FB3]  }
0x2b: {  	s6 =	sld [smem:$0x3FB4]  }
0x2c: {  	s7 =	sld [smem:$0x3FB5]  }
0x2d: {  	s3 =	simm.s32 $0x108;
	s8 =	sld [smem:$0x3FB6]  }
0x2e: {  	s3 =	simm.s32 @!p0 $0x1082;
	s9 =	sld [smem:$0x3FB7]  }
0x2f: {  	lr =	sadd.s32 s0, s3;
	s0 =	sld [smem:$0x3FAE]  }
0x30: {  	s3 =	sld [smem:$0x3FB1]  }
0x31: {  	[smem:$0x3FBA] =	sst s10  }
0x32: {  	s10 =	sld [smem:$0x3FB8];
	_ =	sdelay $0x3  }
0x33: {  	p0 =	seq.s32 s10, $0x1;
	s10 =	sld [smem:$0x3FBA];
	_ =	sdelay $0x3  }
0x34: {  	[smem:$0x3FBA] =	sst s10  }
0x35: {  	s10 =	sld [smem:$0x3FB9];
	_ =	sdelay $0x3  }
0x36: {  	p1 =	seq.s32 s10, $0x1;
	s10 =	sld [smem:$0x3FBA];
	_ =	sdelay $0x3  }
0x37: {  	[smem:$0x3FBA] =	sst s10  }
0x38: {  	s10 =	sld [smem:$0x3FBB]  }
0x39: {  	_ = 	snop;
	(pc) =	sbr.ind lr, $3  }
0x3a: {  	_ = 	snop  }
0x3b: {  	_ = 	snop  }
0x3c: {  	p2 =	seq.s32 s10, $0x1;
	s10 =	sld [smem:$0x3FBA]  }
0x3d: {  	_ =	shalt  }
0x3e: {  	_ =	shalt  }
0x3f: {  	_ =	shalt  }
0x40: {  	_ =	shalt  }
0x41: {  	_ =	shalt  }
0x42: {  	_ =	shalt  }
0x43: {  	_ =	shalt  }
0x44: {  	_ =	shalt  }
0x45: {  	_ =	shalt  }
0x46: {  	_ =	shalt  }
0x47: {  	_ =	shalt  }
0x48: {  	_ =	shalt  }
0x49: {  	_ =	shalt  }
0x4a: {  	_ =	shalt  }
0x4b: {  	_ =	shalt  }
0x4c: {  	_ =	shalt  }
0x4d: {  	_ =	shalt  }
0x4e: {  	_ =	shalt  }
0x4f: {  	_ =	shalt  }
0x50: {  	_ =	shalt  }
0x51: {  	_ =	shalt  }
0x52: {  	_ =	shalt  }
0x53: {  	_ =	shalt  }
0x54: {  	_ =	shalt  }
0x55: {  	_ =	shalt  }
0x56: {  	_ =	shalt  }
0x57: {  	_ =	shalt  }
0x58: {  	_ =	shalt  }
0x59: {  	_ =	shalt  }
0x5a: {  	_ =	shalt  }
0x5b: {  	_ =	shalt  }
0x5c: {  	_ =	shalt  }
0x5d: {  	_ =	shalt  }
0x5e: {  	_ =	shalt  }
0x5f: {  	_ =	shalt  }
0x60: {  	_ =	shalt  }
0x61: {  	_ =	shalt  }
0x62: {  	_ =	shalt  }
0x63: {  	_ =	shalt  }
0x64: {  	_ =	shalt  }
0x65: {  	_ =	shalt  }
0x66: {  	_ =	shalt  }
0x67: {  	_ =	shalt  }
0x68: {  	_ =	shalt  }
0x69: {  	_ =	shalt  }
0x6a: {  	_ =	shalt  }
0x6b: {  	_ =	shalt  }
0x6c: {  	_ =	shalt  }
0x6d: {  	_ =	shalt  }
0x6e: {  	_ =	shalt  }
0x6f: {  	_ =	shalt  }
0x70: {  	_ =	shalt  }
0x71: {  	_ =	shalt  }
0x72: {  	_ =	shalt  }
0x73: {  	_ =	shalt  }
0x74: {  	_ =	shalt  }
0x75: {  	_ =	shalt  }
0x76: {  	_ =	shalt  }
0x77: {  	_ =	shalt  }
0x78: {  	_ =	shalt  }
0x79: {  	_ =	shalt  }
0x7a: {  	_ =	shalt  }
0x7b: {  	_ =	shalt  }
0x7c: {  	_ =	shalt  }
0x7d: {  	_ =	shalt  }
0x7e: {  	_ =	shalt  }
0x7f: {  	_ =	shalt  }
0x80: {  	_ =	shalt  }
0x81: {  	_ =	shalt  }
0x82: {  	_ =	shalt  }
0x83: {  	_ =	shalt  }
0x84: {  	_ =	shalt  }
0x85: {  	_ =	shalt  }
0x86: {  	_ =	shalt  }
0x87: {  	_ =	shalt  }
.Lfunc_end0:
.L_simem_size_0:
called_computation.1_lowered:
.L_overlay_start_0:
0x88: {  	s2 =	sld [smem:$0x3FD9]  }
0x89: {  	s3 =	sld [smem:$0x3FFE];
	_ =	sdelay $0x1  }
0x8a: {  	s1 =	srdreg.scid  }
0x8b: {  	s0 =	sand.u32 $0x1, s1  }
0x8c: {  	s17 =	sshll.u32 s0, $0xA;
	s2 =	sadd.s32 s3, s2  }
0x8d: {  	s2 =	sadd.s32 s2, s17  }
0x8e: {  	[smem:$0x3FC6] =	sst s2  }
0x8f: {  	_ = 	snop  }
0x90: {  	s2 =	sld [smem:$0x3FD0];
	(tm) =	ssettm $0x1  }
0x91: {  	s18 =	sld [smem:$0x3FFB];
	_ =	sdelay $0x3  }
0x92: {  	_ =	strace s18  }
0x93: {  	s3 =	sld [smem:$0x3FFC];
	_ =	sdelay $0x3  }
0x94: {  	_ =	strace s3  }
0x95: {  	s3 =	sld [smem:$0x3FFD];
	_ =	sdelay $0x3  }
0x96: {  	_ =	strace s3  }
0x97: {  	_ =	strace $0x8FFFFFFF  }
0x98: {  	s19 =	sld [smem:$0x3FDB];
	_ =	sdelay $0x1  }
0x99: {  	s4 =	simm.s32 $_scs_section_size  }
0x9a: {  	s5 =	simm.s32 $_size__tile_overlayer_lowered;
	s6 =	simm.s32 $_tile_overlayer_lowered  }
0x9b: {  	s22 =	simm.s32 $0x1BFF;
	s21 =	sshll.u32 s6, $0x1;
	s3 =	sadd.s32 s4, s19  }
0x9c: {  	s7 =	simm.s32 $0x0;
	s20 =	sshll.u32 s5, $0x1;
	s5 =	sadd.s32 s21, s3  }
0x9d: {  	[timem:s7], [sflag:s22] =	dma.local [hbm:s5], s20  }
0x9e: {  	_ =	swait.ge [sflag:s22], s20  }
0x9f: {  	s4 =	ssub.s32 $0x0, s20;
	[sflag:s22] =	ssyncset.done $0x0  }
0xa0: {  	[sflag:s22] =	ssyncadd.s32 s4;
	_ =	sdelay $0x1  }
0xa1: {  	s23 =	simm.s32 $0x1B8B  }
0xa2: {  	_ =	swait.ge [sflag:s23], $0x1  }
0xa3: {  	[sflag:s23] =	ssyncset.done $0x0  }
0xa4: {  	s25 =	simm.s32 $0x1B8E;
	s24 =	sld [smem:$0x3FFE];
	[sflag:s23] =	ssyncadd.s32 $0xFFFFFFFF  }
0xa5: {  	s26 =	simm.s32 $execute0_lowered;
	[smem:$0x3FD2] =	sst s25  }
0xa6: {  	s5 =	sshll.u32 s26, $0x1;
	_ =	strace $0x80000046;
	[dreg:$0x1] =	wrdreg $0xFFFFFFFF  }
0xa7: {  	s28 =	simm.s32 $_size_execute0_lowered;
	s3 =	sadd.s32 s3, s5;
	[dreg:$0x0] =	wrdreg $0x0  }
0xa8: {  	s5 =	sshll.u32 s28, $0x1;
	[dreg:$0x2] =	wrdreg s3  }
0xa9: {  	[dreg:$0x3] =	wrdreg s5  }
0xaa: {  	[dreg:$0x4] =	wrdreg $0xC0  }
0xab: {  	_ =	task [dreg:s7], $0x5FFFF  }
0xac: {  	[dreg:$0x1] =	wrdreg $0xFFFFFFFF  }
0xad: {  	[dreg:$0x0] =	wrdreg $0x60  }
0xae: {  	[dreg:$0x2] =	wrdreg s24  }
0xaf: {  	[dreg:$0x3] =	wrdreg s2  }
0xb0: {  	[dreg:$0x4] =	wrdreg $0x9  }
0xb1: {  	_ =	task.clear_ibuf [dreg:s7], $0x5FFFF;
	_ =	strace $0x90000046  }
0xb2: {  	s29 =	simm.s32 $0x9;
	_ =	strace $0x80000048  }
0xb3: {  	_ =	swait.ge [sflag:s29], $0x1  }
0xb4: {  	[sflag:s29] =	ssyncadd.s32 $0xFFFFFFFF  }
0xb5: {  	_ =	strace $0x90000048  }
0xb6: {  	_ =	sfence  }
0xb7: {  	s30 =	sld [smem:$0x0];
	_ =	sdelay $0x2  }
0xb8: {  	s31 =	sshll.u32 s1, $0xD;
	s1 =	sshrl.u32 s1, $0x2  }
0xb9: {  	s3 =	sand.u32 $0x4000, s31;
	s1 =	sadd.s32 s1, s30  }
0xba: {  	s0 =	sor.u32 s3, s0;
	s1 =	sshll.u32 s1, $0x11  }
0xbb: {  	s0 =	sor.u32 s1, s0  }
0xbc: {  	s0 =	sadd.s32 $0x8F2B, s0  }
0xbd: {  	[sflag:s0] =	ssyncadd.remote.s32 $0x1  }
0xbe: {  	_ =	sfence.sel $0xFFFF  }
0xbf: {  	[dreg:$0x0] =	wrdreg $0xFFFFFFFF;
	(pc) =	sbr.abs _section_cstart, $3  }
0xc0: {  	[dreg:$0x1] =	wrdreg $0xFFFFFFFF  }
0xc1: {  	_ =	task.clear_ibuf [dreg:s7], $0x2FFFF;
	_ =	strace $0x9FFFFFFF  }
0xc2: {  	(tm) =	ssettm $0x7FFFFFFF  }
0xc3: {  	_ =	shalt  }
tec
execute0_lowered:
.L_overlay_start_1:
0x0: {  	(tag) =	ssettag $0x1  }
0x1: {  	s7 =	rddreg [dreg:$0x0]  }
0x2: {  	s1 =	rddreg [dreg:$0x1]  }
0x3: {  	s0 =	rddreg [dreg:$0x2];
	s2 =	simm.s32 $0x0  }
0x4: {  	s3 =	srdreg.scid;
	s12 =	simm.s32 $0x10580;
	s13 =	simm.s32 $0x1  }
0x5: {  	s14 =	simm.s32 $0x0;
	[smem:$0x7FF] =	sst s2;
	s6 =	sand.u32 $0x1, s3  }
0x6: {  	s3 =	stileid.u32;
	s4 =	sadd.s32 $0x1A00, s7;
	s5 =	sadd.s32 $0x600, s7  }
0x7: {  	s7 =	sadd.s32 $0xFC4, s7;
	s8 =	ssub.s32 $0x2, s6;
	s10 =	sshll.u32 s3, $0x1  }
0x8: {  	_ =	strace $0x80000047;
	s9 =	sshrl.u32 s8, $0x1;
	s6 =	sor.u32 s6, s10  }
0x9: {  	s11 =	sshll.u32 s3, $0x4;
	s9 =	ssub.s32 s8, s9;
	s10 =	smul.u32 $0x68A0, s6  }
0xa: {  	v1 =	vimm.s32 $0xFFFFFFFF;
	s31 =	sand.u32 $0x7, s6;
	s8 =	sand.u32 $0xC0, s11;
	s11 =	simm.s32 $0x6900  }
0xb: {  	v2 =	vlaneseq.u32;
	v3 =	vimm.f32 $0.0e+00;
	s6 =	smul.u32 $0x68A0, s31;
	s9 =	smax.u32 s9, $0x1;
	v0 =	vmov s10;
	s10 =	simm.s32 $0x2  }
.LBB2_1:
0xc: {  	s15 =	simm.s32 $0x40;
	s16 =	simm.s32 $0x0  }
.LBB2_2:
0xd: {  	p0 =	sne.s32 s15, $0x1A240;
	[tilespmem:s16+$0x0] =	vst v1;
	s16 =	smov.u32 s15;
	s15 =	sadd.s32 $0x40, s15  }
.Ltmp0:
0xe: {  	(pc) =	sbr.rel @p0 .LBB2_2-.Ltmp0, $2  }
0xf: {  	_ =	sdelay $0x2  }
0x10: {  	s16 =	sshra.s32 s16, $0x2  }
0x11: {  	[tilespmem:s16+$0x0] =	vst v1;
	s15 =	simm.s32 $0x0;
	s16 =	simm.s32 $0x16E80  }
0x12: {  	[tilespmem:s16], [sflag:$0x2] =	stream.linear.gather [hbm4b:s5+s15], $0x4E20, $0x38;
	[tilespmem:$0x1BD00] =	vst v63  }
0x13: {  	_ =	swait.ge [sflag:s10], $0x4E20  }
0x14: {  	[sflag:s10] =	ssyncset.done $0x0  }
0x15: {  	[sflag:s10] =	ssyncadd.s32 $0xFFFFB1E0  }
0x16: {  	s17 =	simm.s32 $0x10;
	v4 =	vld [tilespmem:s16+$0x0]  }
.LBB2_4:
0x17: {  	p0 =	sne.s32 s17, $0x4E10;
	_ =	sdelay $0x3  }
0x18: {  	v4 =	vsub.s32 v4, v0  }
0x19: {  	vm0 =	vlt.u32 v4, $0x68A0  }
0x1a: {  	v4 =	vnsel vm0, $0x0, v4;
	_ =	sdelay $0x1  }
.Ltmp1:
0x1b: {  	(pc) =	sbr.rel @p0 .LBB2_4-.Ltmp1, $4  }
0x1c: {  	_ = 	snop  }
0x1d: {  	v5 =	vor.u32 s15, v2;
	s15 =	smov.u32 s17  }
0x1e: {  	s16 =	sadd.s32 $0x10, s16;
	[tilespmem:v4+s2+$0x0] =	vst.idx.msk vm0, v5  }
0x1f: {  	s17 =	sadd.s32 $0x10, s17;
	v4 =	vld [tilespmem:s16+$0x0]  }
0x20: {  	_ =	sdelay $0x3  }
0x21: {  	v4 =	vsub.s32 v4, v0  }
0x22: {  	vm0 =	vlt.u32 v4, $0x68A0  }
0x23: {  	v4 =	vnsel vm0, $0x0, v4;
	_ =	sdelay $0x3  }
0x24: {  	v5 =	vor.u32 s15, v2  }
0x25: {  	s16 =	simm.s32 $0x16E80;
	[tilespmem:v4+s2+$0x0] =	vst.idx.msk vm0, v5  }
0x26: {  	[tilespmem:s16], [sflag:$0x2] =	stream.linear.gather [hbm4b:s7+s2], $0x4E20, $0x38;
	[tilespmem:$0x1BD00] =	vst v63  }
0x27: {  	_ =	swait.ge [sflag:s10], $0x4E20  }
0x28: {  	[sflag:s10] =	ssyncset.done $0x0  }
0x29: {  	[sflag:s10] =	ssyncadd.s32 $0xFFFFB1E0  }
0x2a: {  	s17 =	simm.s32 $0x4E20;
	s18 =	simm.s32 $0x4E30;
	v4 =	vld [tilespmem:s16+$0x0]  }
.LBB2_6:
0x2b: {  	p0 =	sne.s32 s18, $0x9C30;
	_ =	sdelay $0x3  }
0x2c: {  	v4 =	vsub.s32 v4, v0  }
0x2d: {  	vm0 =	vlt.u32 v4, $0x68A0  }
0x2e: {  	v4 =	vnsel vm0, $0x0, v4;
	_ =	sdelay $0x1  }
.Ltmp2:
0x2f: {  	(pc) =	sbr.rel @p0 .LBB2_6-.Ltmp2, $4  }
0x30: {  	_ = 	snop  }
0x31: {  	v5 =	vor.u32 s17, v2;
	s15 =	simm.s32 $0x0;
	s17 =	smov.u32 s18  }
0x32: {  	s16 =	sadd.s32 $0x10, s16;
	[tilespmem:v4+s15+$0x0] =	vst.idx.msk vm0, v5  }
0x33: {  	s18 =	sadd.s32 $0x10, s18;
	v4 =	vld [tilespmem:s16+$0x0]  }
0x34: {  	_ =	sdelay $0x3  }
0x35: {  	v4 =	vsub.s32 v4, v0  }
0x36: {  	vm0 =	vlt.u32 v4, $0x68A0  }
0x37: {  	v4 =	vnsel vm0, $0x0, v4;
	_ =	sdelay $0x3  }
0x38: {  	v5 =	vor.u32 s17, v2  }
0x39: {  	[tilespmem:v4+s15+$0x0] =	vst.idx.msk vm0, v5  }
.LBB2_8:
0x3a: {  	s16 =	smul.u32 $0x1390, s15;
	_ =	sdelay $0x1  }
0x3b: {  	s16 =	sadd.s32 s4, s16  }
0x3c: {  	[tilespmem:s11], [sflag:$0x2] =	stream.linear.gather [hbm4b:s16+s2], $0x9C40, $0x38;
	[tilespmem:$0x1BD00] =	vst v63  }
0x3d: {  	_ =	swait.ge [sflag:s10], $0x9C40  }
0x3e: {  	p0 =	seq.s32 s15, $0x0;
	[sflag:s10] =	ssyncset.done $0x0  }
0x3f: {  	s16 =	simm.s32 @!p0 $0x1;
	[sflag:s10] =	ssyncadd.s32 $0xFFFF63C0  }
0x40: {  	_ =	swait.ge @!p0 [sflag:s16], $0x68A0  }
0x41: {  	[sflag:s16] =	ssyncset.done @!p0 $0x0  }
0x42: {  	[sflag:s16] =	ssyncadd.s32 @!p0 $0xFFFF9760;
	s16 =	simm.s32 $0x0  }
0x43: {  	v4 =	vld [tilespmem:s16+$0x0];
	_ =	sdelay $0x4  }
0x44: {  	vm0 =	vgt.s32 v4, $0x0  }
0x45: {  	v5 =	vnsel vm0, $0x0, v4;
	_ =	sdelay $0x1  }
0x46: {  	v6 =	vld [tilespmem:s16+$0x10];
	_ =	sdelay $0x2  }
0x47: {  	v5 =	vld.idx.msk [tilespmem:v5+s11+$0x0], $0xffff;
	_ =	sdelay $0x1  }
0x48: {  	vm7 =	vgt.s32 v6, $0x0  }
0x49: {  	vm1 =	vgt.s32 v4, $0xFFFFFFFF;
	v4 =	vnsel vm7, $0x0, v6  }
0x4a: {  	v7 =	vsel vm1, $0x3F800000, v3  }
0x4b: {  	v5 =	vmul.f32 v7, v5;
	v7 =	vld [tilespmem:s16+$0x20];
	_ =	sdelay $0x1  }
0x4c: {  	[tilespmem:s16+$0x10580] =	vst v5  }
0x4d: {  	v4 =	vld.idx.msk [tilespmem:v4+s11+$0x0], $0xffff;
	_ =	sdelay $0x1  }
0x4e: {  	vm8 =	vgt.s32 v7, $0x0  }
0x4f: {  	vm9 =	vgt.s32 v6, $0xFFFFFFFF;
	v5 =	vnsel vm8, $0x0, v7  }
0x50: {  	v6 =	vsel vm9, $0x3F800000, v3  }
0x51: {  	v4 =	vmul.f32 v6, v4;
	v6 =	vld [tilespmem:s16+$0x30];
	_ =	sdelay $0x1  }
0x52: {  	[tilespmem:s16+$0x10590] =	vst v4  }
0x53: {  	v4 =	vld.idx.msk [tilespmem:v5+s11+$0x0], $0xffff;
	_ =	sdelay $0x1  }
0x54: {  	vm10 =	vgt.s32 v6, $0x0  }
0x55: {  	vm11 =	vgt.s32 v7, $0xFFFFFFFF;
	v5 =	vnsel vm10, $0x0, v6  }
0x56: {  	v7 =	vsel vm11, $0x3F800000, v3  }
0x57: {  	v4 =	vmul.f32 v7, v4;
	v7 =	vld [tilespmem:s16+$0x40];
	_ =	sdelay $0x1  }
0x58: {  	[tilespmem:s16+$0x105A0] =	vst v4  }
0x59: {  	v4 =	vld.idx.msk [tilespmem:v5+s11+$0x0], $0xffff;
	_ =	sdelay $0x1  }
0x5a: {  	vm12 =	vgt.s32 v7, $0x0  }
0x5b: {  	vm13 =	vgt.s32 v6, $0xFFFFFFFF;
	v5 =	vnsel vm12, $0x0, v7  }
0x5c: {  	v6 =	vsel vm13, $0x3F800000, v3  }
0x5d: {  	v6 =	vmul.f32 v6, v4;
	v4 =	vld [tilespmem:s16+$0x50];
	_ =	sdelay $0x1  }
0x5e: {  	[tilespmem:s16+$0x105B0] =	vst v6  }
0x5f: {  	v6 =	vld.idx.msk [tilespmem:v5+s11+$0x0], $0xffff;
	_ =	sdelay $0x1  }
0x60: {  	vm15 =	vgt.s32 v4, $0x0  }
0x61: {  	vm14 =	vgt.s32 v7, $0xFFFFFFFF;
	v5 =	vnsel vm15, $0x0, v4  }
0x62: {  	v7 =	vsel vm14, $0x3F800000, v3  }
0x63: {  	s18 =	simm.s32 $0x60;
	s17 =	simm.s32 $0x300;
	v6 =	vmul.f32 v7, v6  }
.LBB2_9:
0x64: {  	p0 =	sne.s32 s17, $0x1A100;
	v7 =	vld [tilespmem:s18+$0x0]  }
0x65: {  	[tilespmem:s16+$0x105C0] =	vst v6  }
0x66: {  	v5 =	vld.idx.msk [tilespmem:v5+s11+$0x0], $0xffff;
	_ =	sdelay $0x2  }
0x67: {  	vm0 =	vgt.s32 v7, $0x0  }
0x68: {  	v6 =	vnsel vm0, $0x0, v7;
	vm0 =	vgt.s32 v4, $0xFFFFFFFF  }
0x69: {  	v4 =	vsel vm0, $0x3F800000, v3  }
0x6a: {  	v4 =	vmul.f32 v4, v5  }
0x6b: {  	v5 =	vld [tilespmem:s18+$0x10]  }
0x6c: {  	[tilespmem:s16+$0x105D0] =	vst v4;
	s16 =	smov.u32 s18  }
0x6d: {  	v4 =	vld.idx.msk [tilespmem:v6+s11+$0x0], $0xffff;
	_ =	sdelay $0x2  }
0x6e: {  	vm0 =	vgt.s32 v5, $0x0  }
0x6f: {  	vm1 =	vgt.s32 v7, $0xFFFFFFFF;
	v6 =	vnsel vm0, $0x0, v5  }
0x70: {  	v7 =	vsel vm1, $0x3F800000, v3  }
0x71: {  	v4 =	vmul.f32 v7, v4  }
0x72: {  	v7 =	vld [tilespmem:s16+$0x20]  }
0x73: {  	[tilespmem:s16+$0x10580] =	vst v4  }
0x74: {  	v4 =	vld.idx.msk [tilespmem:v6+s11+$0x0], $0xffff;
	_ =	sdelay $0x2  }
0x75: {  	vm0 =	vgt.s32 v7, $0x0  }
0x76: {  	vm1 =	vgt.s32 v5, $0xFFFFFFFF;
	v5 =	vnsel vm0, $0x0, v7  }
0x77: {  	v6 =	vsel vm1, $0x3F800000, v3  }
0x78: {  	v4 =	vmul.f32 v6, v4  }
0x79: {  	v6 =	vld [tilespmem:s16+$0x30]  }
0x7a: {  	[tilespmem:s16+$0x10590] =	vst v4  }
0x7b: {  	v4 =	vld.idx.msk [tilespmem:v5+s11+$0x0], $0xffff;
	_ =	sdelay $0x2  }
0x7c: {  	vm0 =	vgt.s32 v6, $0x0  }
0x7d: {  	vm1 =	vgt.s32 v7, $0xFFFFFFFF;
	v5 =	vnsel vm0, $0x0, v6  }
0x7e: {  	v7 =	vsel vm1, $0x3F800000, v3  }
0x7f: {  	v4 =	vmul.f32 v7, v4  }
0x80: {  	v7 =	vld [tilespmem:s16+$0x40]  }
0x81: {  	[tilespmem:s16+$0x105A0] =	vst v4  }
0x82: {  	v4 =	vld.idx.msk [tilespmem:v5+s11+$0x0], $0xffff;
	_ =	sdelay $0x2  }
0x83: {  	vm0 =	vgt.s32 v7, $0x0  }
0x84: {  	vm1 =	vgt.s32 v6, $0xFFFFFFFF;
	v5 =	vnsel vm0, $0x0, v7  }
0x85: {  	v6 =	vsel vm1, $0x3F800000, v3  }
0x86: {  	v6 =	vmul.f32 v6, v4  }
0x87: {  	v4 =	vld [tilespmem:s16+$0x50]  }
0x88: {  	[tilespmem:s16+$0x105B0] =	vst v6  }
0x89: {  	v6 =	vld.idx.msk [tilespmem:v5+s11+$0x0], $0xffff;
	_ =	sdelay $0x1  }
.Ltmp3:
0x8a: {  	(pc) =	sbr.rel @p0 .LBB2_9-.Ltmp3, $4  }
0x8b: {  	vm0 =	vgt.s32 v4, $0x0  }
0x8c: {  	vm1 =	vgt.s32 v7, $0xFFFFFFFF;
	v5 =	vnsel vm0, $0x0, v4  }
0x8d: {  	v7 =	vsel vm1, $0x3F800000, v3  }
0x8e: {  	s18 =	sshra.s32 s17, $0x2;
	s17 =	sadd.s32 $0x180, s17;
	v6 =	vmul.f32 v7, v6  }
0x8f: {  	_ = 	snop  }
0x90: {  	v7 =	vld [tilespmem:s18+$0x0];
	_ =	sdelay $0x1  }
0x91: {  	[tilespmem:s16+$0x105C0] =	vst v6  }
0x92: {  	v5 =	vld.idx.msk [tilespmem:v5+s11+$0x0], $0xffff;
	_ =	sdelay $0x1  }
0x93: {  	vm0 =	vgt.s32 v7, $0x0  }
0x94: {  	vm5 =	vgt.s32 v4, $0xFFFFFFFF;
	v57 =	vnsel vm0, $0x0, v7  }
0x95: {  	v4 =	vsel vm5, $0x3F800000, v3  }
0x96: {  	v4 =	vmul.f32 v4, v5;
	v5 =	vld [tilespmem:s18+$0x10];
	_ =	sdelay $0x1  }
0x97: {  	[tilespmem:s16+$0x105D0] =	vst v4  }
0x98: {  	v4 =	vld.idx.msk [tilespmem:v57+s11+$0x0], $0xffff;
	_ =	sdelay $0x1  }
0x99: {  	vm6 =	vgt.s32 v5, $0x0  }
0x9a: {  	vm1 =	vgt.s32 v7, $0xFFFFFFFF;
	v58 =	vnsel vm6, $0x0, v5  }
0x9b: {  	v7 =	vsel vm1, $0x3F800000, v3  }
0x9c: {  	v59 =	vld [tilespmem:s18+$0x20];
	v4 =	vmul.f32 v7, v4;
	_ =	sdelay $0x1  }
0x9d: {  	[tilespmem:s18+$0x10580] =	vst v4  }
0x9e: {  	v4 =	vld.idx.msk [tilespmem:v58+s11+$0x0], $0xffff;
	_ =	sdelay $0x1  }
0x9f: {  	vm7 =	vgt.s32 v59, $0x0  }
0xa0: {  	vm8 =	vgt.s32 v5, $0xFFFFFFFF;
	v5 =	vnsel vm7, $0x0, v59  }
0xa1: {  	v60 =	vsel vm8, $0x3F800000, v3  }
0xa2: {  	v61 =	vld [tilespmem:s18+$0x30];
	v4 =	vmul.f32 v60, v4;
	_ =	sdelay $0x1  }
0xa3: {  	[tilespmem:s18+$0x10590] =	vst v4  }
0xa4: {  	v4 =	vld.idx.msk [tilespmem:v5+s11+$0x0], $0xffff;
	_ =	sdelay $0x1  }
0xa5: {  	vm9 =	vgt.s32 v61, $0x0  }
0xa6: {  	vm10 =	vgt.s32 v59, $0xFFFFFFFF;
	v5 =	vnsel vm9, $0x0, v61  }
0xa7: {  	v7 =	vsel vm10, $0x3F800000, v3  }
0xa8: {  	v62 =	vld [tilespmem:s18+$0x40];
	v4 =	vmul.f32 v7, v4;
	_ =	sdelay $0x1  }
0xa9: {  	[tilespmem:s18+$0x105A0] =	vst v4  }
0xaa: {  	v4 =	vld.idx.msk [tilespmem:v5+s11+$0x0], $0xffff;
	_ =	sdelay $0x1  }
0xab: {  	vm11 =	vgt.s32 v62, $0x0  }
0xac: {  	vm12 =	vgt.s32 v61, $0xFFFFFFFF;
	v5 =	vnsel vm11, $0x0, v62  }
0xad: {  	v6 =	vsel vm12, $0x3F800000, v3  }
0xae: {  	v63 =	vld [tilespmem:s18+$0x50];
	v4 =	vmul.f32 v6, v4;
	_ =	sdelay $0x1  }
0xaf: {  	[tilespmem:s18+$0x105B0] =	vst v4  }
0xb0: {  	v4 =	vld.idx.msk [tilespmem:v5+s11+$0x0], $0xffff;
	_ =	sdelay $0x1  }
0xb1: {  	vm13 =	vgt.s32 v63, $0x0  }
0xb2: {  	vm14 =	vgt.s32 v62, $0xFFFFFFFF;
	v5 =	vnsel vm13, $0x0, v63  }
0xb3: {  	v7 =	vsel vm14, $0x3F800000, v3  }
0xb4: {  	v4 =	vmul.f32 v7, v4;
	_ =	sdelay $0x1  }
0xb5: {  	[tilespmem:s18+$0x105C0] =	vst v4  }
0xb6: {  	v4 =	vld.idx.msk [tilespmem:v5+s11+$0x0], $0xffff;
	_ =	sdelay $0x1  }
0xb7: {  	s31 =	sadd.s32 s8, s15;
	s15 =	sadd.s32 $0x1, s15  }
0xb8: {  	p0 =	sne.s32 s15, $0x40;
	s16 =	smul.u32 $0x34500, s31;
	vm15 =	vgt.s32 v63, $0xFFFFFFFF  }
.Ltmp4:
0xb9: {  	v5 =	vsel vm15, $0x3F800000, v3;
	(pc) =	sbr.rel @p0 .LBB2_8-.Ltmp4, $4  }
0xba: {  	s16 =	sadd.s32 s6, s16;
	v4 =	vmul.f32 v5, v4  }
0xbb: {  	s16 =	sshrl.u32 s16, $0x3  }
0xbc: {  	s16 =	sadd.s32 s1, s16;
	[tilespmem:s18+$0x105D0] =	vst v4  }
0xbd: {  	[hbm4b:s16+s2] =	stream.linear.scatter [tilespmem:s12], [sflag:$0x1], $0x68A0, $0x38;
	[tilespmem:$0x1BD00] =	vst v63  }
0xbe: {  	s14 =	sadd.s32 $0x1, s14  }
0xbf: {  	p0 =	sne.s32 s14, s9  }
.Ltmp5:
0xc0: {  	_ = 	snop;
	(pc) =	sbr.rel @p0 .LBB2_1-.Ltmp5, $4  }
0xc1: {  	_ = 	snop  }
0xc2: {  	_ =	swait.ge [sflag:s13], $0x68A0  }
0xc3: {  	[sflag:s13] =	ssyncset.done $0x0  }
0xc4: {  	[sflag:s13] =	ssyncadd.s32 $0xFFFF9760  }
0xc5: {  	_ =	sfence.sel $0x180000  }
0xc6: {  	[bflag:$0x0] =	sbarrier.arrive $0xFFFF  }
0xc7: {  	p0 =	sne.s32 s3, $0x0;
	_ =	strace $0x90000047  }
0xc8: {  	s0 =	sadd.s32 @!p0 $0x100000, s0;
	[bflag:$0x2] =	sbarrier.arrive $0xFFFF  }
0xc9: {  	[sflag:s0] =	ssyncadd.tile.s32 @!p0 $0x1;
	_ =	shalt  }
.Lfunc_end2:
_tile_overlayer_lowered:
.L_overlay_start_2:
0xca: {  	(tag) =	ssettag $0x2  }
0xcb: {  	s0 =	rddreg [dreg:$0x0];
	s2 =	stileid.u32  }
0xcc: {  	s1 =	rddreg [dreg:$0x1];
	p0 =	sne.s32 s2, $0x0  }
0xcd: {  	s3 =	rddreg [dreg:$0x2];
	[bflag:$0x3] =	sbarrier.arrive $0xFFFF;
	s2 =	simm.s32 @!p0 $0x1C02  }
0xce: {  	[timem:s3], [sflag:s2] =	dma.local @!p0 [hbm:s0], s1  }
0xcf: {  	s0 =	simm.s32 @!p0 $0x2  }
0xd0: {  	_ =	swait.ge @!p0 [sflag:s0], s1  }
0xd1: {  	s1 =	ssub.s32 @!p0 $0x0, s1;
	[sflag:s0] =	ssyncset.done @!p0 $0x0  }
0xd2: {  	[sflag:s0] =	ssyncadd.s32 @!p0 s1  }
0xd3: {  	[bflag:$0x3] =	sbarrier.arrive $0xFFFF  }
0xd4: {  	_ =	shalt  }

// kernel: sparse-core-data-format-call.cloned.1.call-start
scs
called_computation_lowered:
.L_overlay_start_0:
0x0: {  	s2 =	sld [smem:$0x3FD9]  }
0x1: {  	s3 =	sld [smem:$0x3FFE];
	_ =	sdelay $0x1  }
0x2: {  	s1 =	srdreg.scid  }
0x3: {  	s0 =	sand.u32 $0x1, s1  }
0x4: {  	s18 =	sshll.u32 s0, $0xA;
	s2 =	sadd.s32 s3, s2  }
0x5: {  	s2 =	sadd.s32 s2, s18  }
0x6: {  	[smem:$0x3FC6] =	sst s2  }
0x7: {  	_ = 	snop  }
0x8: {  	s2 =	sld [smem:$0x3FD0];
	(tm) =	ssettm $0x1  }
0x9: {  	s19 =	sld [smem:$0x3FFB];
	_ =	sdelay $0x3  }
0xa: {  	_ =	strace s19  }
0xb: {  	s3 =	sld [smem:$0x3FFC];
	_ =	sdelay $0x3  }
0xc: {  	_ =	strace s3  }
0xd: {  	s3 =	sld [smem:$0x3FFD];
	_ =	sdelay $0x3  }
0xe: {  	_ =	strace s3  }
0xf: {  	_ =	strace $0x8FFFFFFF  }
0x10: {  	s20 =	sld [smem:$0x3FDB];
	_ =	sdelay $0x1  }
0x11: {  	s4 =	simm.s32 $_scs_section_size  }
0x12: {  	s5 =	simm.s32 $_size__tile_overlayer_lowered;
	s6 =	simm.s32 $_tile_overlayer_lowered  }
0x13: {  	s23 =	simm.s32 $0x1BFF;
	s22 =	sshll.u32 s6, $0x1;
	s3 =	sadd.s32 s4, s20  }
0x14: {  	s7 =	simm.s32 $0x0;
	s21 =	sshll.u32 s5, $0x1;
	s5 =	sadd.s32 s22, s3  }
0x15: {  	[timem:s7], [sflag:s23] =	dma.local [hbm:s5], s21  }
0x16: {  	_ =	swait.ge [sflag:s23], s21  }
0x17: {  	s4 =	ssub.s32 $0x0, s21;
	[sflag:s23] =	ssyncset.done $0x0  }
0x18: {  	[sflag:s23] =	ssyncadd.s32 s4;
	_ =	sdelay $0x1  }
0x19: {  	s24 =	simm.s32 $0x1B8B  }
0x1a: {  	_ =	swait.ge [sflag:s24], $0x1  }
0x1b: {  	[sflag:s24] =	ssyncset.done $0x0  }
0x1c: {  	s26 =	simm.s32 $0x1B8E;
	s25 =	sld [smem:$0x3FFE];
	[sflag:s24] =	ssyncadd.s32 $0xFFFFFFFF  }
0x1d: {  	s27 =	simm.s32 $execute0_lowered;
	[smem:$0x3FD2] =	sst s26  }
0x1e: {  	s5 =	sshll.u32 s27, $0x1;
	_ =	strace $0x80000049;
	[dreg:$0x1] =	wrdreg $0xFFFFFFFF  }
0x1f: {  	s28 =	simm.s32 $_size_execute0_lowered;
	s3 =	sadd.s32 s3, s5;
	[dreg:$0x0] =	wrdreg $0x0  }
0x20: {  	s5 =	sshll.u32 s28, $0x1;
	[dreg:$0x2] =	wrdreg s3  }
0x21: {  	[dreg:$0x3] =	wrdreg s5  }
0x22: {  	[dreg:$0x4] =	wrdreg $0xC0  }
0x23: {  	_ =	task [dreg:s7], $0x5FFFF  }
0x24: {  	[dreg:$0x1] =	wrdreg $0xFFFFFFFF  }
0x25: {  	[dreg:$0x0] =	wrdreg $0x60  }
0x26: {  	[dreg:$0x2] =	wrdreg s25  }
0x27: {  	[dreg:$0x3] =	wrdreg s2  }
0x28: {  	[dreg:$0x4] =	wrdreg $0x9  }
0x29: {  	_ =	task.clear_ibuf [dreg:s7], $0x5FFFF;
	_ =	strace $0x90000049  }
0x2a: {  	s29 =	simm.s32 $0x9;
	_ =	strace $0x8000004B  }
0x2b: {  	_ =	swait.ge [sflag:s29], $0x1  }
0x2c: {  	[sflag:s29] =	ssyncadd.s32 $0xFFFFFFFF  }
0x2d: {  	_ =	strace $0x9000004B  }
0x2e: {  	_ =	sfence  }
0x2f: {  	s30 =	sld [smem:$0x0];
	_ =	sdelay $0x2  }
0x30: {  	s31 =	sshll.u32 s1, $0xD;
	s1 =	sshrl.u32 s1, $0x2  }
0x31: {  	s3 =	sand.u32 $0x4000, s31;
	s1 =	sadd.s32 s1, s30  }
0x32: {  	s0 =	sor.u32 s3, s0;
	s1 =	sshll.u32 s1, $0x11  }
0x33: {  	s0 =	sor.u32 s1, s0  }
0x34: {  	s0 =	sadd.s32 $0x8F2B, s0  }
0x35: {  	[sflag:s0] =	ssyncadd.remote.s32 $0x1  }
0x36: {  	_ =	sfence.sel $0xFFFF  }
0x37: {  	[dreg:$0x0] =	wrdreg $0xFFFFFFFF;
	(pc) =	sbr.abs _section_cstart, $3  }
0x38: {  	[dreg:$0x1] =	wrdreg $0xFFFFFFFF  }
0x39: {  	_ =	task.clear_ibuf [dreg:s7], $0x2FFFF;
	_ =	strace $0x9FFFFFFF  }
0x3a: {  	(tm) =	ssettm $0x7FFFFFFF  }
0x3b: {  	_ =	shalt  }
tec
execute0_lowered:
.L_overlay_start_1:
0x0: {  	(tag) =	ssettag $0x1  }
0x1: {  	s0 =	rddreg [dreg:$0x0];
	s1 =	srdreg.scid  }
0x2: {  	_ =	strace $0x8000004A;
	s2 =	stileid.u32;
	s30 =	simm.s32 $0x1  }
0x3: {  	s31 =	simm.s32 $0x2;
	s21 =	simm.s32 $0x0;
	s10 =	simm.s32 $0x1000  }
0x4: {  	s20 =	simm.s32 $0x0;
	s22 =	simm.s32 $0x0;
	s23 =	simm.s32 $0x0  }
0x5: {  	s11 =	simm.s32 $0x0;
	s12 =	simm.s32 $0x0;
	s14 =	simm.s32 $0x0  }
0x6: {  	s16 =	simm.s32 $0x0;
	s15 =	simm.s32 $0x0;
	s17 =	simm.s32 $0x0  }
.Ltmp0:
0x7: {  	s0 =	sadd.s32 $0x600, s0;
	s29 =	sshll.u32 s1, $0x4;
	(pc) =	sbr.rel .LBB1_1-.Ltmp0, $4  }
0x8: {  	s13 =	simm.s32 $0x0;
	[dreg:$0x3] =	wrdreg s0;
	s0 =	sand.u32 $0x10, s29  }
0x9: {  	[sflag:s30] =	ssyncpa.u1 $0x0;
	s8 =	sand.u32 $0x3, s2;
	s0 =	sor.u32 s2, s0  }
0xa: {  	[sflag:s31] =	ssyncpa.u1 $0x0;
	[dreg:$0x4] =	wrdreg s8;
	s9 =	sshrl.u32 s0, $0x2  }
0xb: {  	s19 =	smov.u32 s8;
	s18 =	smov.u32 s9;
	[dreg:$0x5] =	wrdreg s9  }
.LBB1_18:
0xc: {  	s11 =	rddreg [dreg:$0x6]  }
0xd: {  	s12 =	rddreg [dreg:$0x7]  }
0xe: {  	s4 =	rddreg [dreg:$0x14]  }
0xf: {  	s5 =	rddreg [dreg:$0x15]  }
0x10: {  	s23 =	rddreg [dreg:$0x13]  }
0x11: {  	s16 =	rddreg [dreg:$0xb]  }
0x12: {  	s14 =	rddreg [dreg:$0x9]  }
0x13: {  	s27 =	rddreg [dreg:$0x1]  }
0x14: {  	s30 =	rddreg [dreg:$0x16]  }
0x15: {  	s8 =	rddreg [dreg:$0x4]  }
0x16: {  	s9 =	rddreg [dreg:$0x5]  }
0x17: {  	s13 =	rddreg [dreg:$0x8]  }
0x18: {  	s15 =	rddreg [dreg:$0xa]  }
0x19: {  	s17 =	rddreg [dreg:$0xc]  }
0x1a: {  	s18 =	rddreg [dreg:$0xd]  }
0x1b: {  	s19 =	rddreg [dreg:$0xe]  }
0x1c: {  	s10 =	simm.s32 $0x1000;
	s20 =	rddreg [dreg:$0xf];
	s0 =	sshll.u32 s11, $0x9  }
0x1d: {  	s1 =	sshll.u32 s12, $0x3;
	s2 =	sshll.u32 s11, $0x7;
	p0 =	sgt.s32 s12, $0x180  }
0x1e: {  	s3 =	smov.u32 s12;
	s24 =	sand.u32 $0x78, s12;
	s25 =	smul.u32 $0x1B0000, s16  }
0x1f: {  	s26 =	smul.u32 $0x6C00, s14;
	s28 =	sand.u32 $0x7, s12;
	s0 =	sand.u32 $0xFFFFF000, s0  }
0x20: {  	s1 =	sand.u32 $0xFFFFFC00, s1;
	s21 =	sand.u32 $0x200, s2;
	s3 =	simm.s32 @!p0 $0x180  }
0x21: {  	p0 =	sgt.s32 s11, $0x130;
	s2 =	sand.u32 $0x180, s2;
	s29 =	sshll.u32 s28, $0x12  }
0x22: {  	s0 =	sadd.s32 s1, s0;
	s1 =	smov.u32 s11;
	s3 =	sadd.s32 s4, s3  }
0x23: {  	s2 =	sor.u32 s24, s2;
	s31 =	sor.u32 $0x400, s29;
	s0 =	sor.u32 s21, s0  }
0x24: {  	s1 =	simm.s32 @!p0 $0x130;
	s4 =	sadd.s32 $0xFFFFFE80, s3;
	s0 =	sshrl.u32 s0, $0x9  }
0x25: {  	s3 =	ssub.s32 $0x200, s3;
	s2 =	sshrl.u32 s2, $0x3;
	s22 =	smulhi.u32 $0x97B426, s0  }
0x26: {  	s21 =	rddreg [dreg:$0x10];
	s1 =	sadd.s32 s5, s1;
	p0 =	sgt.s32 s4, $0x7F  }
0x27: {  	s5 =	sadd.s32 $0xFFFFFED0, s1;
	s3 =	simm.s32 @p0 $0x0;
	s4 =	smul.u32 $0x1B0, s22  }
0x28: {  	s1 =	ssub.s32 $0x1B0, s1;
	p0 =	sgt.s32 s5, $0x7F;
	s3 =	smul.u32 s23, s3  }
0x29: {  	s1 =	simm.s32 @p0 $0x0;
	s0 =	ssub.s32 s0, s4;
	s4 =	sadd.s32 s27, s25  }
0x2a: {  	s23 =	rddreg [dreg:$0x12];
	s1 =	smul.u32 s1, s3;
	s3 =	sadd.s32 s26, s4  }
0x2b: {  	s22 =	rddreg [dreg:$0x11];
	s0 =	sshll.u32 s0, $0x6;
	s2 =	sadd.s32 s2, s3  }
0x2c: {  	s1 =	sand.u32 $0x3FFFFFFF, s1;
	s4 =	sor.u32 $0x8000, s30;
	s0 =	sadd.s32 s0, s2  }
0x2d: {  	[hbm4b:s0+s31] =	stream.strided.scatter [tilespmem:s4], [sflag:$0x2], s1, s10, s31, $0x20;
	[tilespmem:$0x10100] =	vst v63  }
.LBB1_19:
0x2e: {  	p0 =	slt.u32 s13, $0x2  }
0x2f: {  	s0 =	smov.u32 s23;
	s2 =	smov.u32 s22;
	s5 =	smov.u32 s20  }
0x30: {  	s13 =	sadd.s32 $0x1, s13;
	p1 =	sgt.s32 @!p0 s23, $0x3;
	s1 =	sshra.s32 @!p0 s23, $0x1F  }
0x31: {  	s3 =	sshra.s32 @!p0 s22, $0x1F;
	p3 =	sgt.s32 @!p0 s20, $0x180;
	p1 =	por !p1, p0  }
0x32: {  	s4 =	sshra.s32 @!p0 s20, $0x1F;
	s1 =	sand.u32 @!p0 s1, s23;
	s0 =	simm.s32 @p1 $0x3  }
0x33: {  	s4 =	sand.u32 @!p0 s4, s20;
	p1 =	sgt.s32 @!p0 s22, $0x3F;
	s0 =	ssub.s32 @!p0 s0, s1  }
0x34: {  	s20 =	smov.u32 s12;
	p1 =	por !p1, p0;
	s1 =	sadd.s32 @!p0 $0xFFFFFFFD, s0  }
0x35: {  	s2 =	simm.s32 @p1 $0x3F;
	p2 =	sgt.s32 @!p0 s1, $0x0;
	s1 =	sand.u32 @!p0 s3, s22  }
0x36: {  	s0 =	ssub.s32 @!p0 $0x4, s0;
	p1 =	por !p2, p0;
	s1 =	ssub.s32 @!p0 s2, s1  }
0x37: {  	s3 =	smov.u32 s21;
	s0 =	simm.s32 @!p1 $0x0;
	s2 =	sadd.s32 @!p0 $0xFFFFFFC1, s1  }
0x38: {  	p1 =	sgt.s32 @!p0 s21, $0x130;
	p2 =	sgt.s32 @!p0 s2, $0x0;
	s2 =	sshra.s32 @!p0 s21, $0x1F  }
0x39: {  	s1 =	ssub.s32 @!p0 $0x40, s1;
	p1 =	por !p1, p0;
	s2 =	sand.u32 @!p0 s2, s21  }
0x3a: {  	s3 =	simm.s32 @p1 $0x130;
	p1 =	por !p3, p0;
	p2 =	por !p2, p0  }
0x3b: {  	s5 =	simm.s32 @p1 $0x180;
	s1 =	simm.s32 @!p2 $0x0;
	s2 =	ssub.s32 @!p0 s3, s2  }
0x3c: {  	s3 =	ssub.s32 @!p0 s5, s4;
	s0 =	smul.u32 @!p0 s0, s1;
	s1 =	sadd.s32 @!p0 $0xFFFFFED0, s2  }
0x3d: {  	s5 =	smov.u32 s17;
	s4 =	sadd.s32 @!p0 $0xFFFFFE80, s3;
	p1 =	sgt.s32 @!p0 s1, $0x7F  }
0x3e: {  	s1 =	ssub.s32 @!p0 $0x1B0, s2;
	s2 =	ssub.s32 @!p0 $0x200, s3;
	p2 =	sgt.s32 @!p0 s4, $0x7F  }
0x3f: {  	s3 =	sadd.s32 $0x80, s15;
	s4 =	sadd.s32 $0x80, s17;
	p2 =	por !p2, p0  }
0x40: {  	p1 =	por !p1, p0;
	s2 =	simm.s32 @!p2 $0x0;
	p2 =	sgt.s32 s3, $0x1AF  }
0x41: {  	s1 =	simm.s32 @!p1 $0x0;
	s0 =	smul.u32 @!p0 s2, s0;
	s5 =	smov.u32 @p2 s4  }
0x42: {  	s2 =	sadd.s32 $0x8, s18;
	s4 =	smov.u32 s18;
	p1 =	sgt.s32 s5, $0x1EF  }
0x43: {  	s3 =	simm.s32 @p2 $0x0;
	s0 =	smul.u32 @!p0 s1, s0;
	s4 =	smov.u32 @p1 s2  }
0x44: {  	s1 =	sadd.s32 $0x4, s19;
	s2 =	smov.u32 s19;
	p2 =	sgt.s32 s4, $0x3F  }
0x45: {  	s23 =	smov.u32 s16;
	s12 =	smov.u32 s17;
	s2 =	smov.u32 @p2 s1  }
0x46: {  	s16 =	smov.u32 s19;
	s5 =	simm.s32 @p1 $0x0;
	p1 =	sgt.s32 s2, $0x3  }
0x47: {  	s22 =	smov.u32 s14;
	s2 =	smov.u32 @p1 s8;
	p1 =	sne.s32 s13, $0x82  }
.Ltmp1:
0x48: {  	s14 =	smov.u32 s18;
	s21 =	smov.u32 s11;
	(pc) =	sbr.rel @!p1 .LBB1_20-.Ltmp1, $4  }
0x49: {  	s11 =	smov.u32 s15;
	s0 =	sand.u32 @!p0 $0x3FFFFFFF, s0;
	s1 =	simm.s32 @!p0 $0x2  }
0x4a: {  	s15 =	smov.u32 s3;
	s17 =	smov.u32 s5;
	_ =	swait.ge @!p0 [sflag:s1], s0  }
0x4b: {  	s4 =	smov.u32 @p2 s9;
	s0 =	ssub.s32 @!p0 $0x0, s0;
	[sflag:s1] =	ssyncset.done @!p0 $0x0  }
0x4c: {  	s18 =	smov.u32 s4;
	[sflag:s1] =	ssyncadd.s32 @!p0 s0;
	s19 =	smov.u32 s2  }
.LBB1_1:
0x4d: {  	p0 =	sgt.u32 s13, $0x7F  }
.Ltmp2:
0x4e: {  	_ = 	snop;
	(pc) =	sbr.rel @p0 .LBB1_3-.Ltmp2, $1  }
0x4f: {  	_ =	sdelay $0x3  }
0x50: {  	s0 =	sand.u32 $0x78, s15;
	s1 =	sshll.u32 s17, $0x9  }
0x51: {  	s2 =	sshll.u32 s15, $0x3;
	s3 =	sshll.u32 s17, $0x7;
	p0 =	sgt.s32 s19, $0x3  }
0x52: {  	s26 =	sshra.s32 s19, $0x1F;
	s4 =	smov.u32 s18;
	s5 =	sshra.s32 s18, $0x1F  }
0x53: {  	s29 =	sshra.s32 s17, $0x1F;
	s31 =	sshra.s32 s15, $0x1F;
	s1 =	sand.u32 $0xFFFFF000, s1  }
0x54: {  	s2 =	sand.u32 $0xFFFFFC00, s2;
	s25 =	sand.u32 $0x200, s3;
	s3 =	sand.u32 $0x180, s3  }
0x55: {  	s27 =	sand.u32 s5, s18;
	s30 =	sand.u32 s29, s17;
	s29 =	sand.u32 $0x7, s15  }
0x56: {  	s1 =	sadd.s32 s1, s2;
	s0 =	sor.u32 s0, s3;
	s2 =	smov.u32 s19  }
0x57: {  	s3 =	sand.u32 s26, s19;
	s26 =	smul.u32 $0x7C00, s18;
	s1 =	sor.u32 s25, s1  }
0x58: {  	s2 =	simm.s32 @!p0 $0x3;
	p0 =	sgt.s32 s18, $0x3F;
	s25 =	smul.u32 $0x1F0000, s19  }
0x59: {  	s0 =	sshrl.u32 s0, $0x3;
	s1 =	sshrl.u32 s1, $0x9;
	s2 =	ssub.s32 s2, s3  }
0x5a: {  	s4 =	simm.s32 @!p0 $0x3F;
	s28 =	smulhi.u32 $0x842109, s1;
	s6 =	sadd.s32 $0xFFFFFFFD, s2  }
0x5b: {  	s3 =	ssub.s32 s4, s27;
	s2 =	ssub.s32 $0x4, s2;
	p0 =	sgt.s32 s6, $0x0  }
0x5c: {  	s4 =	sadd.s32 $0xFFFFFFC1, s3;
	s3 =	ssub.s32 $0x40, s3;
	s6 =	sand.u32 s31, s15  }
0x5d: {  	s2 =	simm.s32 @p0 $0x0;
	p0 =	sgt.s32 s4, $0x0;
	s4 =	smov.u32 s17  }
0x5e: {  	s5 =	smul.u32 $0x1F0, s28;
	s3 =	simm.s32 @p0 $0x0;
	p0 =	sgt.s32 s17, $0x170  }
0x5f: {  	s28 =	rddreg [dreg:$0x3];
	s2 =	smul.u32 s2, s3;
	s4 =	simm.s32 @!p0 $0x170  }
0x60: {  	p0 =	sgt.s32 s15, $0x180;
	s3 =	ssub.s32 s4, s30;
	s4 =	smov.u32 s15  }
0x61: {  	s1 =	ssub.s32 s1, s5;
	s7 =	sadd.s32 $0xFFFFFE90, s3;
	s4 =	simm.s32 @!p0 $0x180  }
0x62: {  	s3 =	ssub.s32 $0x1F0, s3;
	p0 =	sgt.s32 s7, $0x7F;
	s4 =	ssub.s32 s4, s6  }
0x63: {  	s1 =	sshll.u32 s1, $0x6;
	s3 =	simm.s32 @p0 $0x0;
	s24 =	sadd.s32 $0xFFFFFE80, s4  }
0x64: {  	s2 =	smul.u32 s3, s2;
	p0 =	sgt.s32 s24, $0x7F;
	s3 =	ssub.s32 $0x200, s4  }
0x65: {  	s30 =	sshll.u32 s29, $0x12;
	s4 =	sadd.s32 s28, s25;
	s3 =	simm.s32 @p0 $0x0  }
0x66: {  	s7 =	sxor.u32 $0xFFFFFFFF, s13;
	s4 =	sadd.s32 s26, s4;
	s2 =	smul.u32 s3, s2  }
0x67: {  	s31 =	sor.u32 $0x400, s30;
	s6 =	sshll.u32 s7, $0xE;
	s0 =	sadd.s32 s0, s4  }
0x68: {  	s27 =	sand.u32 $0x4000, s6;
	s0 =	sadd.s32 s1, s0;
	s2 =	sand.u32 $0x3FFFFFFF, s2  }
0x69: {  	[tilespmem:s27], [sflag:$0x1] =	stream.strided.gather [hbm4b:s0+s31], s2, s10, s31, $0x38;
	[tilespmem:$0x10100] =	vst v63  }
.LBB1_3:
0x6a: {  	p0 =	seq.s32 s13, $0x0  }
0x6b: {  	p1 =	seq.s32 @!p0 s13, $0x81  }
0x6c: {  	p0 =	por p0, p1  }
.Ltmp3:
0x6d: {  	_ = 	snop;
	(pc) =	sbr.rel @p0 .LBB1_19-.Ltmp3, $1  }
0x6e: {  	_ =	sdelay $0x3  }
0x6f: {  	[dreg:$0x12] =	wrdreg s23  }
0x70: {  	[dreg:$0x11] =	wrdreg s22  }
0x71: {  	[dreg:$0x10] =	wrdreg s21  }
0x72: {  	[dreg:$0xf] =	wrdreg s20  }
0x73: {  	[dreg:$0xe] =	wrdreg s19  }
0x74: {  	[dreg:$0xd] =	wrdreg s18  }
0x75: {  	[dreg:$0xc] =	wrdreg s17  }
0x76: {  	[dreg:$0xa] =	wrdreg s15;
	p0 =	sgt.s32 s16, $0x3;
	s0 =	smov.u32 s16  }
0x77: {  	s1 =	sshra.s32 s16, $0x1F;
	s2 =	sshra.s32 s14, $0x1F;
	s19 =	ssub.s32 $0x0, s12  }
0x78: {  	s20 =	sshra.s32 s12, $0x1F;
	p1 =	sgt.s32 s12, $0x170;
	s4 =	smov.u32 s12  }
0x79: {  	s23 =	ssub.s32 $0x0, s11;
	s24 =	sshra.s32 s11, $0x1F;
	s0 =	simm.s32 @!p0 $0x3  }
0x7a: {  	s1 =	sand.u32 s1, s16;
	p0 =	sgt.s32 s14, $0x3F;
	s2 =	sand.u32 s2, s14  }
0x7b: {  	s4 =	simm.s32 @!p1 $0x170;
	s0 =	ssub.s32 s0, s1;
	s1 =	smov.u32 s14  }
0x7c: {  	s3 =	sadd.s32 $0xFFFFFFFD, s0;
	s1 =	simm.s32 @!p0 $0x3F;
	s0 =	ssub.s32 $0x4, s0  }
0x7d: {  	p0 =	sgt.s32 s3, $0x0;
	s1 =	ssub.s32 s1, s2;
	s2 =	sand.u32 s19, s20  }
0x7e: {  	s3 =	smov.u32 s11;
	s5 =	sadd.s32 $0xFFFFFFC1, s1;
	s1 =	ssub.s32 $0x40, s1  }
0x7f: {  	[dreg:$0x14] =	wrdreg s2;
	s2 =	sadd.s32 s2, s4;
	s0 =	simm.s32 @p0 $0x0  }
0x80: {  	p1 =	sgt.s32 s5, $0x0;
	s21 =	sadd.s32 $0xFFFFFE90, s2;
	s2 =	ssub.s32 $0x1F0, s2  }
0x81: {  	s1 =	simm.s32 @p1 $0x0;
	p0 =	sgt.s32 s21, $0x7F;
	p1 =	sgt.s32 s11, $0x180  }
0x82: {  	s22 =	smul.u32 s0, s1;
	s0 =	sand.u32 s23, s24;
	s3 =	simm.s32 @!p1 $0x180  }
0x83: {  	s2 =	simm.s32 @p0 $0x0;
	[dreg:$0x15] =	wrdreg s0;
	s0 =	sadd.s32 s0, s3  }
0x84: {  	[dreg:$0x6] =	wrdreg s11;
	s25 =	smul.u32 s2, s22;
	s26 =	sadd.s32 $0xFFFFFE80, s0  }
0x85: {  	s0 =	ssub.s32 $0x200, s0;
	s2 =	sadd.s32 $0x1, s16;
	p0 =	sgt.s32 s26, $0x7F  }
0x86: {  	s3 =	sadd.s32 $0x1, s14;
	s0 =	simm.s32 @p0 $0x0;
	p0 =	slt.s32 s2, $0x4  }
0x87: {  	[dreg:$0xb] =	wrdreg s16;
	s2 =	simm.s32 @!p0 $0x4;
	p0 =	slt.s32 s3, $0x40  }
0x88: {  	s1 =	sadd.s32 $0x80, s12;
	s2 =	ssub.s32 s2, s16;
	s3 =	simm.s32 @!p0 $0x40  }
0x89: {  	p1 =	slt.s32 s1, $0x1F0;
	s3 =	ssub.s32 s3, s14;
	p0 =	slt.s32 s2, $0x1  }
0x8a: {  	[dreg:$0x9] =	wrdreg s14;
	s1 =	simm.s32 @!p1 $0x1F0;
	p1 =	slt.s32 @!p0 s3, $0x1  }
0x8b: {  	[dreg:$0x7] =	wrdreg s12;
	s27 =	ssub.s32 s1, s12;
	p1 =	por p0, p1  }
0x8c: {  	[dreg:$0x8] =	wrdreg s13;
	p2 =	slt.s32 @!p1 s27, $0x1  }
0x8d: {  	[dreg:$0x13] =	wrdreg s22;
	s0 =	smul.u32 s0, s25;
	p1 =	por p1, p2  }
.Ltmp4:
0x8e: {  	s29 =	simm.s32 $0x1;
	[dreg:$0x17] =	wrdreg s2;
	(pc) =	sbr.rel @p1 .LBB1_18-.Ltmp4, $4  }
0x8f: {  	s28 =	sand.u32 $0x3FFFFFFF, s0;
	s0 =	sand.u32 $0x1, s13;
	[dreg:$0x18] =	wrdreg s3  }
0x90: {  	s31 =	smul.u32 $0x4080, s0;
	_ =	swait.ge [sflag:s29], s28  }
0x91: {  	s30 =	ssub.s32 $0x0, s28;
	[sflag:s29] =	ssyncset.done $0x0  }
0x92: {  	[dreg:$0x16] =	wrdreg s31;
	[sflag:s29] =	ssyncadd.s32 s30  }
0x93: {  	s2 =	rddreg [dreg:$0x6]  }
0x94: {  	s1 =	sadd.s32 $0x80, s2  }
0x95: {  	p1 =	slt.s32 s1, $0x1B0  }
0x96: {  	s1 =	simm.s32 @!p1 $0x1B0  }
.Ltmp5:
0x97: {  	s1 =	ssub.s32 s1, s2;
	(pc) =	sbr.rel .LBB1_6-.Ltmp5, $4  }
0x98: {  	s30 =	sshll.u32 @!p0 s0, $0xE;
	s0 =	rddreg [dreg:$0x16];
	s2 =	sadd.s32 $0xF, s1  }
0x99: {  	s31 =	sor.u32 @!p0 $0x8000, s0;
	s28 =	sand.u32 $0xFFFFFFF0, s2  }
0x9a: {  	s29 =	sand.u32 @!p0 $0xFFFFFF00, s2;
	s1 =	sshll.u32 s2, $0x3;
	p0 =	slt.s32 s2, $0x100  }
0x9b: {  	s0 =	sand.u32 $0xFFFFF800, s1;
	s1 =	simm.s32 $0x0;
	p1 =	sge.s32 s29, s28  }
.LBB1_17:
0x9c: {  	s1 =	sadd.s32 $0x1, s1;
	s2 =	rddreg [dreg:$0x17]  }
0x9d: {  	p2 =	sne.s32 s1, s2  }
.Ltmp6:
0x9e: {  	_ = 	snop;
	(pc) =	sbr.rel @!p2 .LBB1_18-.Ltmp6, $1  }
0x9f: {  	_ =	sdelay $0x3  }
.LBB1_6:
.Ltmp7:
0xa0: {  	(pc) =	sbr.rel .LBB1_7-.Ltmp7, $2  }
0xa1: {  	_ =	sdelay $0x2  }
0xa2: {  	s2 =	simm.s32 $0x0  }
.LBB1_16:
0xa3: {  	s2 =	sadd.s32 $0x1, s2;
	s3 =	rddreg [dreg:$0x18]  }
0xa4: {  	p2 =	sne.s32 s2, s3  }
.Ltmp8:
0xa5: {  	_ = 	snop;
	(pc) =	sbr.rel @!p2 .LBB1_17-.Ltmp8, $1  }
0xa6: {  	_ =	sdelay $0x3  }
.LBB1_7:
.Ltmp9:
0xa7: {  	s3 =	sadd.s32 s1, s2;
	(pc) =	sbr.rel .LBB1_8-.Ltmp9, $3  }
0xa8: {  	s4 =	sshll.u32 s3, $0x10;
	s3 =	smul.u32 $0x10200, s3;
	_ =	sdelay $0x1  }
0xa9: {  	s5 =	simm.s32 $0x400;
	s4 =	sshra.s32 s4, $0x2;
	s3 =	sshra.s32 s3, $0x2  }
0xaa: {  	s7 =	sadd.s32 s4, s30;
	s4 =	simm.s32 $0x0;
	s3 =	sadd.s32 s3, s31  }
.LBB1_15:
0xab: {  	s4 =	sadd.s32 $0x1, s4  }
0xac: {  	p2 =	sne.s32 s4, s27  }
.Ltmp10:
0xad: {  	_ = 	snop;
	(pc) =	sbr.rel @!p2 .LBB1_16-.Ltmp10, $2  }
0xae: {  	_ =	sdelay $0x2  }
0xaf: {  	s5 =	sadd.s32 $0x80, s5  }
.LBB1_8:
.Ltmp11:
0xb0: {  	(pc) =	sbr.rel @p0 .LBB1_12-.Ltmp11, $2  }
0xb1: {  	_ =	sdelay $0x2  }
0xb2: {  	s6 =	sshll.u32 s4, $0x7;
	s24 =	sand.u32 $0x7F, s4  }
0xb3: {  	s10 =	sshll.u32 s4, $0x3  }
0xb4: {  	s13 =	sand.u32 $0x380, s6;
	s8 =	sshrl.u32 s10, $0x7  }
0xb5: {  	s9 =	sadd.s32 $0x800, s10;
	s15 =	sadd.s32 $0x1000, s10;
	s18 =	sadd.s32 $0x1800, s10  }
0xb6: {  	s20 =	sadd.s32 $0x2800, s10;
	s26 =	sadd.s32 $0x3000, s10;
	s10 =	sadd.s32 $0x3800, s10  }
0xb7: {  	s11 =	sand.u32 $0x78, s8;
	s9 =	sshrl.u32 s9, $0x7;
	s17 =	sshrl.u32 s15, $0x7  }
0xb8: {  	s15 =	sshrl.u32 s18, $0x7;
	s25 =	sshrl.u32 s20, $0x7;
	s10 =	sshrl.u32 s10, $0x7  }
0xb9: {  	s16 =	sadd.s32 $0x10, s8;
	s12 =	smul.u32 $0x204, s11;
	s9 =	sand.u32 $0x78, s9  }
0xba: {  	s20 =	sadd.s32 $0x30, s8;
	s11 =	sxor.u32 $0x40, s11;
	s14 =	smul.u32 $0x204, s9  }
0xbb: {  	s19 =	sand.u32 $0x78, s15;
	s10 =	sand.u32 $0x78, s10;
	s11 =	smul.u32 $0x204, s11  }
0xbc: {  	s9 =	sadd.s32 s13, s7;
	s13 =	sand.u32 $0x78, s17;
	s10 =	smul.u32 $0x204, s10  }
0xbd: {  	s12 =	sshrl.u32 s12, $0x2;
	s13 =	smul.u32 $0x204, s13;
	v0 =	vmov s9;
	s9 =	sand.u32 $0x3C00, s5  }
0xbe: {  	s12 =	sadd.s32 s12, s3;
	s14 =	sshrl.u32 s14, $0x2;
	s11 =	sshrl.u32 s11, $0x2  }
0xbf: {  	s10 =	sshrl.u32 s10, $0x2;
	s14 =	sadd.s32 s14, s3;
	s21 =	sadd.s32 s24, s12  }
0xc0: {  	s13 =	sshrl.u32 s13, $0x2;
	s12 =	smul.u32 $0x204, s19;
	s11 =	sadd.s32 s11, s3  }
0xc1: {  	s19 =	sadd.s32 $0x20, s8;
	s10 =	sadd.s32 s10, s3;
	s13 =	sadd.s32 s13, s3  }
0xc2: {  	s23 =	sadd.s32 s24, s13;
	s12 =	sshrl.u32 s12, $0x2;
	s13 =	sand.u32 $0x78, s25  }
0xc3: {  	s22 =	sadd.s32 s24, s14;
	s12 =	sadd.s32 s12, s3;
	s13 =	smul.u32 $0x204, s13  }
0xc4: {  	s17 =	sadd.s32 s24, s11;
	s18 =	sadd.s32 s24, s12;
	s12 =	sshrl.u32 s26, $0x7  }
0xc5: {  	s25 =	sadd.s32 $0x50, s8;
	s14 =	sshrl.u32 s13, $0x2;
	s11 =	sand.u32 $0x78, s12  }
0xc6: {  	s12 =	sadd.s32 s14, s3;
	s15 =	smul.u32 $0x204, s11;
	s14 =	sand.u32 $0x78, s19  }
0xc7: {  	s19 =	sadd.s32 s24, s10;
	s11 =	sadd.s32 s24, s12;
	s12 =	sand.u32 $0x78, s16  }
0xc8: {  	s14 =	smul.u32 $0x204, s14;
	s16 =	sadd.s32 $0x60, s8;
	s8 =	sadd.s32 $0x70, s8  }
0xc9: {  	s13 =	sshrl.u32 s15, $0x2;
	s12 =	smul.u32 $0x204, s12;
	s15 =	sand.u32 $0x78, s25  }
0xca: {  	s26 =	sand.u32 $0x78, s16;
	s8 =	sand.u32 $0x78, s8;
	s25 =	smul.u32 $0x204, s15  }
0xcb: {  	s14 =	sshrl.u32 s14, $0x2;
	s16 =	smul.u32 $0x204, s26;
	s12 =	sshrl.u32 s12, $0x2  }
0xcc: {  	v1 =	vld.idx.msk [tilespmem:v0+s9+$0x0 ss:$0x1], $0xffff;
	s8 =	smul.u32 $0x204, s8;
	s14 =	sadd.s32 s14, s3;
	s10 =	sadd.s32 s12, s3  }
0xcd: {  	s12 =	sand.u32 $0x78, s20;
	s20 =	sadd.s32 s24, s14;
	s14 =	sshrl.u32 s25, $0x2  }
0xce: {  	s25 =	sshrl.u32 s16, $0x2;
	s8 =	sshrl.u32 s8, $0x2;
	s15 =	sadd.s32 s24, s10  }
0xcf: {  	s10 =	sadd.s32 s14, s3;
	s14 =	sadd.s32 s25, s3;
	s26 =	sadd.s32 s8, s3  }
0xd0: {  	s8 =	sadd.s32 s24, s14;
	s14 =	sadd.s32 s24, s26;
	s26 =	sadd.s32 $0xFFFFFC00, s5  }
0xd1: {  	[tilespmem:s21+$0x0 ss:$0x81] =	vst.msk $0xffff, v1;
	v1 =	vld.idx.msk [tilespmem:v0+s9+$0x20 ss:$0x1], $0xffff;
	s16 =	sadd.s32 s24, s10;
	s10 =	sand.u32 $0x3C00, s26  }
0xd2: {  	v2 =	vld.idx.msk [tilespmem:v0+s10+$0x70 ss:$0x1], $0xffff  }
0xd3: {  	v3 =	vld.idx.msk [tilespmem:v0+s10+$0x0 ss:$0x1], $0xffff  }
0xd4: {  	v4 =	vld.idx.msk [tilespmem:v0+s10+$0x10 ss:$0x1], $0xffff  }
0xd5: {  	v5 =	vld.idx.msk [tilespmem:v0+s10+$0x20 ss:$0x1], $0xffff  }
0xd6: {  	v6 =	vld.idx.msk [tilespmem:v0+s10+$0x30 ss:$0x1], $0xffff  }
0xd7: {  	v7 =	vld.idx.msk [tilespmem:v0+s10+$0x40 ss:$0x1], $0xffff;
	[tilespmem:s19+$0x0 ss:$0x81] =	vst.msk $0xffff, v2  }
0xd8: {  	v8 =	vld.idx.msk [tilespmem:v0+s10+$0x50 ss:$0x1], $0xffff;
	[tilespmem:s21+$0x0 ss:$0x81] =	vst.msk $0xffff, v3  }
0xd9: {  	p2 =	sgt.s32 s29, $0x100;
	s12 =	smul.u32 $0x204, s12;
	v9 =	vld.idx.msk [tilespmem:v0+s10+$0x60 ss:$0x1], $0xffff;
	[tilespmem:s22+$0x0 ss:$0x81] =	vst.msk $0xffff, v4  }
.Ltmp12:
0xda: {  	v4 =	vld.idx.msk [tilespmem:v0+s9+$0x10 ss:$0x1], $0xffff;
	[tilespmem:s23+$0x0 ss:$0x81] =	vst.msk $0xffff, v5;
	(pc) =	sbr.rel @!p2 .LBB1_11-.Ltmp12, $4  }
0xdb: {  	[tilespmem:s18+$0x0 ss:$0x81] =	vst.msk $0xffff, v6;
	v2 =	vld.idx.msk [tilespmem:v0+s9+$0x30 ss:$0x1], $0xffff  }
0xdc: {  	s13 =	sadd.s32 s13, s3;
	s12 =	sshrl.u32 s12, $0x2;
	[tilespmem:s17+$0x0 ss:$0x81] =	vst.msk $0xffff, v7;
	v3 =	vld.idx.msk [tilespmem:v0+s9+$0x40 ss:$0x1], $0xffff  }
0xdd: {  	s13 =	sadd.s32 s24, s13;
	s12 =	sadd.s32 s12, s3;
	[tilespmem:s11+$0x0 ss:$0x81] =	vst.msk $0xffff, v8;
	v5 =	vld.idx.msk [tilespmem:v0+s9+$0x50 ss:$0x1], $0xffff  }
0xde: {  	s25 =	sadd.s32 $0x800, s5;
	s10 =	simm.s32 $0x100;
	s12 =	sadd.s32 s24, s12;
	[tilespmem:s13+$0x0 ss:$0x81] =	vst.msk $0xffff, v9;
	v6 =	vld.idx.msk [tilespmem:v0+s9+$0x60 ss:$0x1], $0xffff  }
.LBB1_10:
0xdf: {  	s26 =	sadd.s32 $0xFFFFFC00, s25;
	s10 =	sadd.s32 $0x100, s10;
	[tilespmem:s15+$0x0 ss:$0x81] =	vst.msk $0xffff, v4;
	v4 =	vld.idx.msk [tilespmem:v0+s9+$0x70 ss:$0x1], $0xffff;
	s9 =	sand.u32 $0x3C00, s25  }
0xe0: {  	s26 =	sand.u32 $0x3C00, s26;
	v7 =	vld.idx.msk [tilespmem:v0+s9+$0x0 ss:$0x1], $0xffff;
	p2 =	slt.s32 s10, s29;
	[tilespmem:s20+$0x0 ss:$0x81] =	vst.msk $0xffff, v1  }
0xe1: {  	v1 =	vld.idx.msk [tilespmem:v0+s26+$0x70 ss:$0x1], $0xffff;
	[tilespmem:s12+$0x0 ss:$0x81] =	vst.msk $0xffff, v2  }
0xe2: {  	v2 =	vld.idx.msk [tilespmem:v0+s26+$0x0 ss:$0x1], $0xffff;
	[tilespmem:s17+$0x0 ss:$0x81] =	vst.msk $0xffff, v3  }
0xe3: {  	v3 =	vld.idx.msk [tilespmem:v0+s26+$0x10 ss:$0x1], $0xffff;
	[tilespmem:s16+$0x0 ss:$0x81] =	vst.msk $0xffff, v5  }
0xe4: {  	v5 =	vld.idx.msk [tilespmem:v0+s26+$0x20 ss:$0x1], $0xffff;
	[tilespmem:s8+$0x0 ss:$0x81] =	vst.msk $0xffff, v6  }
0xe5: {  	v6 =	vld.idx.msk [tilespmem:v0+s26+$0x30 ss:$0x1], $0xffff;
	[tilespmem:s14+$0x0 ss:$0x81] =	vst.msk $0xffff, v4  }
0xe6: {  	v8 =	vld.idx.msk [tilespmem:v0+s26+$0x40 ss:$0x1], $0xffff;
	[tilespmem:s21+$0x0 ss:$0x81] =	vst.msk $0xffff, v7  }
0xe7: {  	v7 =	vld.idx.msk [tilespmem:v0+s26+$0x50 ss:$0x1], $0xffff;
	[tilespmem:s19+$0x0 ss:$0x81] =	vst.msk $0xffff, v1  }
0xe8: {  	[tilespmem:s21+$0x0 ss:$0x81] =	vst.msk $0xffff, v2;
	v9 =	vld.idx.msk [tilespmem:v0+s26+$0x60 ss:$0x1], $0xffff  }
0xe9: {  	[tilespmem:s22+$0x0 ss:$0x81] =	vst.msk $0xffff, v3;
	v4 =	vld.idx.msk [tilespmem:v0+s9+$0x10 ss:$0x1], $0xffff  }
.Ltmp13:
0xea: {  	[tilespmem:s23+$0x0 ss:$0x81] =	vst.msk $0xffff, v5;
	v1 =	vld.idx.msk [tilespmem:v0+s9+$0x20 ss:$0x1], $0xffff;
	(pc) =	sbr.rel @p2 .LBB1_10-.Ltmp13, $4  }
0xeb: {  	[tilespmem:s18+$0x0 ss:$0x81] =	vst.msk $0xffff, v6;
	v2 =	vld.idx.msk [tilespmem:v0+s9+$0x30 ss:$0x1], $0xffff  }
0xec: {  	[tilespmem:s17+$0x0 ss:$0x81] =	vst.msk $0xffff, v8;
	v3 =	vld.idx.msk [tilespmem:v0+s9+$0x40 ss:$0x1], $0xffff  }
0xed: {  	[tilespmem:s11+$0x0 ss:$0x81] =	vst.msk $0xffff, v7;
	v5 =	vld.idx.msk [tilespmem:v0+s9+$0x50 ss:$0x1], $0xffff  }
0xee: {  	s25 =	sadd.s32 $0x800, s25;
	[tilespmem:s13+$0x0 ss:$0x81] =	vst.msk $0xffff, v9;
	v6 =	vld.idx.msk [tilespmem:v0+s9+$0x60 ss:$0x1], $0xffff  }
.LBB1_11:
0xef: {  	_ =	sdelay $0x2  }
0xf0: {  	[tilespmem:s15+$0x0 ss:$0x81] =	vst.msk $0xffff, v4  }
0xf1: {  	v0 =	vld.idx.msk [tilespmem:v0+s9+$0x70 ss:$0x1], $0xffff;
	[tilespmem:s20+$0x0 ss:$0x81] =	vst.msk $0xffff, v1  }
0xf2: {  	[tilespmem:s12+$0x0 ss:$0x81] =	vst.msk $0xffff, v2  }
0xf3: {  	[tilespmem:s17+$0x0 ss:$0x81] =	vst.msk $0xffff, v3  }
0xf4: {  	[tilespmem:s16+$0x0 ss:$0x81] =	vst.msk $0xffff, v5  }
0xf5: {  	[tilespmem:s8+$0x0 ss:$0x81] =	vst.msk $0xffff, v6  }
0xf6: {  	[tilespmem:s14+$0x0 ss:$0x81] =	vst.msk $0xffff, v0  }
.LBB1_12:
.Ltmp14:
0xf7: {  	(pc) =	sbr.rel @p1 .LBB1_15-.Ltmp14, $1  }
0xf8: {  	_ =	sdelay $0x3  }
0xf9: {  	s9 =	sand.u32 $0x380, s6;
	s8 =	sshrl.u32 s4, $0x4;
	s10 =	sadd.s32 s24, s3  }
0xfa: {  	s11 =	smov.u32 s0;
	s12 =	smov.u32 s29;
	s9 =	sadd.s32 s9, s7  }
.LBB1_14:
0xfb: {  	s13 =	sand.u32 $0x3C00, s11  }
0xfc: {  	s13 =	sadd.s32 s6, s13  }
0xfd: {  	s13 =	sand.u32 $0x3C00, s13  }
0xfe: {  	s14 =	sand.u32 $0x70, s12;
	s25 =	sadd.s32 s12, s8;
	s13 =	sadd.s32 s13, s9  }
0xff: {  	s12 =	sadd.s32 $0x10, s12;
	s26 =	sand.u32 $0x78, s25;
	s13 =	sadd.s32 s14, s13  }
0x100: {  	p2 =	slt.s32 s12, s28;
	v0 =	vld [tilespmem:s13+$0x0];
	s13 =	smul.u32 $0x204, s26  }
.Ltmp15:
0x101: {  	_ = 	snop;
	(pc) =	sbr.rel @p2 .LBB1_14-.Ltmp15, $4  }
0x102: {  	_ = 	snop  }
0x103: {  	s13 =	sshrl.u32 s13, $0x2  }
0x104: {  	s13 =	sadd.s32 s13, s10  }
0x105: {  	s11 =	sadd.s32 $0x80, s11;
	[tilespmem:s13+$0x0 ss:$0x81] =	vst.msk $0xffff, v0  }
.Ltmp16:
0x106: {  	_ = 	snop;
	(pc) =	sbr.rel .LBB1_15-.Ltmp16, $1  }
0x107: {  	_ =	sdelay $0x3  }
.LBB1_20:
0x108: {  	_ =	sfence.sel $0x180000  }
0x109: {  	s0 =	simm.s32 $0x1;
	[bflag:$0x0] =	sbarrier.arrive $0xFFFF  }
0x10a: {  	s30 =	simm.s32 $0x2;
	[sflag:s0] =	ssyncpa.u1 $0x1  }
0x10b: {  	[sflag:s30] =	ssyncpa.u1 $0x1  }
0x10c: {  	_ =	strace $0x9000004A  }
0x10d: {  	s31 =	stileid.u32;
	[bflag:$0x2] =	sbarrier.arrive $0xFFFF  }
0x10e: {  	p0 =	sne.s32 s31, $0x0;
	s0 =	rddreg [dreg:$0x2]  }
0x10f: {  	s0 =	sadd.s32 @!p0 $0x100000, s0  }
0x110: {  	[sflag:s0] =	ssyncadd.tile.s32 @!p0 $0x1;
	_ =	shalt  }
.Lfunc_end1:
_tile_overlayer_lowered:
.L_overlay_start_2:
0x111: {  	(tag) =	ssettag $0x2  }
0x112: {  	s0 =	rddreg [dreg:$0x0];
	s2 =	stileid.u32  }
0x113: {  	s1 =	rddreg [dreg:$0x1];
	p0 =	sne.s32 s2, $0x0  }
0x114: {  	s3 =	rddreg [dreg:$0x2];
	[bflag:$0x3] =	sbarrier.arrive $0xFFFF;
	s2 =	simm.s32 @!p0 $0x1C01  }
0x115: {  	[timem:s3], [sflag:s2] =	dma.local @!p0 [hbm:s0], s1  }
0x116: {  	s0 =	simm.s32 @!p0 $0x1  }
0x117: {  	_ =	swait.ge @!p0 [sflag:s0], s1  }
0x118: {  	s1 =	ssub.s32 @!p0 $0x0, s1;
	[sflag:s0] =	ssyncset.done @!p0 $0x0  }
0x119: {  	[sflag:s0] =	ssyncadd.s32 @!p0 s1  }
0x11a: {  	[bflag:$0x3] =	sbarrier.arrive $0xFFFF  }
0x11b: {  	_ =	shalt  }

</sc_bundles>
